<compile_context>
chip_gen: v7x
topology: tpu7x:2x2x1
jax: 0.10.2.dev20260603
libtpu: 0.0.44.dev20260713+nightly
codegen_flags: <defaults>
</compile_context>

<pallas_src>
import functools

import numpy as np

import jax
import jax.numpy as jnp
from jax import lax
from jax.experimental import pallas as pl
from jax.experimental.pallas import tpu as pltpu

_NOISE_RATIO = 0.2
_LABEL_NOISE_RATIO = 0.2
_NUM_CLASSES = 133
_NQ = 100

_T = float(np.float32(_NOISE_RATIO)) * (1 << 23)
assert _T != int(_T)
_KEEP_THRESHOLD_M = int(_T) + 1

_ROT0 = (13, 15, 26, 6)
_ROT1 = (17, 29, 16, 24)
_PARITY = 0x1BD11BDA


def _rotl(x, r):
    return lax.shift_left(x, jnp.int32(r)) | lax.shift_right_logical(
        x, jnp.int32(32 - r))


def _threefry2x32(k0, k1, x0, x1):
    ks = (k0, k1, k0 ^ k1 ^ jnp.int32(_PARITY))
    x0 = x0 + ks[0]
    x1 = x1 + ks[1]
    for i in range(5):
        rots = _ROT0 if i % 2 == 0 else _ROT1
        for r in rots:
            x0 = x0 + x1
            x1 = _rotl(x1, r)
            x1 = x0 ^ x1
        x0 = x0 + ks[(i + 1) % 3]
        x1 = x1 + ks[(i + 2) % 3] + jnp.int32(i + 1)
    return x0, x1


def kernel(mask_labels, class_labels, num_mp_queries):
    B, num_gt, G = mask_labels.shape
    lanes = 128
    sub = G // lanes
    cdtype = class_labels.dtype

    key = jax.random.key(42)

    idx_rows = []
    key_rows = []
    flip_rows = []
    newlab_rows = []
    for b in range(B):
        kb = jax.random.fold_in(key, b)
        k_idx, k_noise, k_flip, k_newlab = jax.random.split(kb, 4)
        extra = jax.random.randint(k_idx, (_NQ - num_gt,), 0, num_gt)
        indices = jnp.concatenate(
            [jnp.arange(num_gt), extra]) + (num_mp_queries - _NQ)
        indices = jnp.clip(indices, 0, num_gt - 1).astype(jnp.int32)
        idx_rows.append(indices)
        key_rows.append(lax.bitcast_convert_type(
            jax.random.key_data(k_noise), jnp.int32))
        flip_rows.append(
            (jax.random.uniform(k_flip, (_NQ,)) < _LABEL_NOISE_RATIO)
            .astype(jnp.int32))
        newlab_rows.append(
            jax.random.randint(k_newlab, (_NQ,), 1, _NUM_CLASSES + 1)
            .astype(jnp.int32))

    idx = jnp.stack(idx_rows)
    keys = jnp.stack(key_rows)
    flip = jnp.stack(flip_rows)
    newlab = jnp.stack(newlab_rows)
    cls_tab = class_labels.astype(jnp.int32)

    x4 = mask_labels.reshape(B, num_gt, sub, lanes)

    R = 4
    assert _NQ % R == 0

    def body(idx_ref, key_ref, flip_ref, newlab_ref, cls_ref,
             *refs):
        x_refs = refs[:R]
        om_ref, oc_ref = refs[R], refs[R + 1]
        b = pl.program_id(0)
        q = pl.program_id(1)

        k0 = key_ref[b, 0]
        k1 = key_ref[b, 1]

        s = lax.broadcasted_iota(jnp.int32, (sub, lanes), 0)
        l = lax.broadcasted_iota(jnp.int32, (sub, lanes), 1)
        iota2d = s * jnp.int32(lanes) + l

        for i in range(R):
            row = q * jnp.int32(R) + jnp.int32(i)
            cnt = iota2d + row * jnp.int32(sub * lanes)
            y0, y1 = _threefry2x32(k0, k1,
                                   jnp.zeros((sub, lanes), jnp.int32), cnt)
            bits = y0 ^ y1
            m = lax.shift_right_logical(bits, jnp.int32(9))
            keep = m >= jnp.int32(_KEEP_THRESHOLD_M)

            om_ref[0, i] = jnp.where(keep, x_refs[i][0, 0], jnp.float32(0.0))

            sampled = cls_ref[b, idx_ref[b, row]]
            oc_ref[0, i, 0, 0] = jnp.where(flip_ref[b, row] != 0,
                                           newlab_ref[b, row], sampled)

    def _in_spec(i):
        return pl.BlockSpec(
            (1, 1, sub, lanes),
            lambda b, q, idx_r, *_: (b, idx_r[b, q * R + i], 0, 0))

    grid_spec = pltpu.PrefetchScalarGridSpec(
        num_scalar_prefetch=5,
        grid=(B, _NQ // R),
        in_specs=[_in_spec(i) for i in range(R)],
        out_specs=[
            pl.BlockSpec((1, R, sub, lanes),
                         lambda b, q, *_: (b, q, 0, 0)),
            pl.BlockSpec((1, R, 1, 1), lambda b, q, *_: (b, q, 0, 0),
                         memory_space=pltpu.SMEM),
        ],
    )

    out_masks, out_cls = pl.pallas_call(
        body,
        grid_spec=grid_spec,
        compiler_params=pltpu.CompilerParams(
            dimension_semantics=("parallel", "parallel")),
        out_shape=[
            jax.ShapeDtypeStruct((B, _NQ, sub, lanes), mask_labels.dtype),
            jax.ShapeDtypeStruct((B, _NQ, 1, 1), jnp.int32),
        ],
    )(idx, keys, flip, newlab, cls_tab, *([x4] * R))

    return (out_masks.reshape(B, _NQ, G),
            out_cls.reshape(B, _NQ).astype(cdtype))

# --- scband reference (transcript-rebuilt; emitter-appended) ---
"""Pipeline reference for scband-mpnoise-generator-77799037599917 (READ-ONLY COPY).

The authoritative reference and input builder live on the scoring server;
editing this copy changes nothing except your own understanding.
"""

import jax, jax.numpy as jnp
import numpy as np

NOISE_RATIO = 0.2
LABEL_NOISE_RATIO = 0.2
NUM_CLASSES = 133


def setup_inputs(seed: int = 0) -> dict:
    key = jax.random.key(seed)
    k1, k2 = jax.random.split(key)
    mask_labels = jax.random.uniform(k1, (4, 50, 65536), dtype=jnp.float32)
    class_labels = jax.random.randint(k2, (4, 50), 0, NUM_CLASSES)
    return {"mask_labels": mask_labels, "class_labels": class_labels, "num_mp_queries": 100}


def reference(mask_labels, class_labels, num_mp_queries):
    # mask_labels: float32[B, num_gt, G]; class_labels: int64[B, num_gt]
    # Mirrors MPNoiseGenerator.forward: per batch element, sample/repeat GT indices
    # up to num_mp_queries, apply pixel dropout noise to masks and label flipping.
    key = jax.random.key(42)
    B = mask_labels.shape[0]
    NQ = 100
    out_masks = []
    out_classes = []
    for b in range(B):
        masks = mask_labels[b]
        classes = class_labels[b]
        num_gt = masks.shape[0]
        kb = jax.random.fold_in(key, b)
        k_idx, k_noise, k_flip, k_newlab = jax.random.split(kb, 4)
        if num_gt <= NQ:
            extra = jax.random.randint(k_idx, (NQ - num_gt,), 0, num_gt)
            indices = jnp.concatenate([jnp.arange(num_gt), extra])
        else:
            indices = jax.random.permutation(k_idx, num_gt)[:NQ]
        indices = indices + (num_mp_queries - NQ)
        sampled_masks = jnp.take(masks, indices, axis=0)
        sampled_classes = jnp.take(classes, indices, axis=0)
        noise_mask = jax.random.uniform(k_noise, sampled_masks.shape) > NOISE_RATIO
        noisy_masks = sampled_masks * noise_mask.astype(jnp.float32)
        if LABEL_NOISE_RATIO > 0:
            flip_mask = jax.random.uniform(k_flip, (NQ,)) < LABEL_NOISE_RATIO
            new_labels = jax.random.randint(k_newlab, (NQ,), 1, NUM_CLASSES + 1)
            noisy_classes = jnp.where(flip_mask, new_labels, sampled_classes)
        else:
            noisy_classes = sampled_classes
        out_masks.append(noisy_masks)
        out_classes.append(noisy_classes)
    return (jnp.stack(out_masks, axis=0), jnp.stack(out_classes, axis=0))

if __name__ == "__main__":
    import jax
    _d = setup_inputs()
    print(jax.jit(kernel)(*tuple(_d.values())))

</pallas_src>

<mosaic_0001>
module attributes {stable_mosaic.version = 14 : i64} {
  func.func @body(%arg0: i32, %arg1: i32, %arg2: memref<4x100xi32, #tpu.memory_space<smem>>, %arg3: memref<4x2xi32, #tpu.memory_space<smem>>, %arg4: memref<4x100xi32, #tpu.memory_space<smem>>, %arg5: memref<4x100xi32, #tpu.memory_space<smem>>, %arg6: memref<4x50xi32, #tpu.memory_space<smem>>, %arg7: memref<1x1x512x128xf32, #tpu.memory_space<vmem>>, %arg8: memref<1x1x512x128xf32, #tpu.memory_space<vmem>>, %arg9: memref<1x1x512x128xf32, #tpu.memory_space<vmem>>, %arg10: memref<1x1x512x128xf32, #tpu.memory_space<vmem>>, %arg11: memref<1x4x512x128xf32, #tpu.memory_space<vmem>>, %arg12: memref<1x4x1x1xi32, #tpu.memory_space<smem>>) attributes {dimension_semantics = [#tpu.dimension_semantics<parallel>, #tpu.dimension_semantics<parallel>], iteration_bounds = array<i64: 4, 25>, scalar_prefetch = 5 : i64, scratch_operands = 0 : i64, tpu.core_type = #tpu.core_type<tc>, window_params = [{transform_indices = @transform_0, window_bounds = array<i64: 1, 1, 512, 128>}, {transform_indices = @transform_1, window_bounds = array<i64: 1, 1, 512, 128>}, {transform_indices = @transform_2, window_bounds = array<i64: 1, 1, 512, 128>}, {transform_indices = @transform_3, window_bounds = array<i64: 1, 1, 512, 128>}, {transform_indices = @transform_4, window_bounds = array<i64: 1, 4, 512, 128>}, {transform_indices = @transform_5, window_bounds = array<i64: 1, 4, 1, 1>}]} {
    %get3A = arith.index_cast %arg0 : i32 to index
    %get3A_0 = arith.constant 0 : index
    %get3A_1 = memref.load %arg3[%get3A, %get3A_0] : memref<4x2xi32, #tpu.memory_space<smem>>
    %get3A_2 = arith.index_cast %arg0 : i32 to index
    %get3A_3 = arith.constant 1 : index
    %get3A_4 = memref.load %arg3[%get3A_2, %get3A_3] : memref<4x2xi32, #tpu.memory_space<smem>>
    %iota3A = tpu.iota {dimensions = array<i32: 0>} : vector<512x128xi32>
    %iota3A_5 = tpu.iota {dimensions = array<i32: 1>} : vector<512x128xi32>
    %mul3A = arith.constant 128 : i32
    %mul3A_6 = vector.broadcast %mul3A : i32 to vector<512x128xi32>
    %mul3A_7 = arith.muli %iota3A, %mul3A_6 : vector<512x128xi32>
    %add3A = arith.addi %mul3A_7, %iota3A_5 : vector<512x128xi32>
    %mul3A_8 = arith.constant 4 : i32
    %mul3A_9 = arith.muli %arg1, %mul3A_8 : i32
    %add3A_10 = arith.constant 0 : i32
    %add3A_11 = arith.addi %mul3A_9, %add3A_10 : i32
    %mul3A_12 = arith.constant 65536 : i32
    %mul3A_13 = arith.muli %add3A_11, %mul3A_12 : i32
    %add3A_14 = vector.broadcast %mul3A_13 : i32 to vector<512x128xi32>
    %add3A_15 = arith.addi %add3A, %add3A_14 : vector<512x128xi32>
    %broadcast_in_dim3A = arith.constant 0 : i32
    %broadcast_in_dim3A_16 = vector.broadcast %broadcast_in_dim3A : i32 to vector<512x128xi32>
    %xor3A = arith.xori %get3A_1, %get3A_4 : i32
    %xor3A_17 = arith.constant 466688986 : i32
    %xor3A_18 = arith.xori %xor3A, %xor3A_17 : i32
    %add3A_19 = vector.broadcast %get3A_1 : i32 to vector<512x128xi32>
    %add3A_20 = arith.addi %broadcast_in_dim3A_16, %add3A_19 : vector<512x128xi32>
    %add3A_21 = vector.broadcast %get3A_4 : i32 to vector<512x128xi32>
    %add3A_22 = arith.addi %add3A_15, %add3A_21 : vector<512x128xi32>
    %add3A_23 = arith.addi %add3A_20, %add3A_22 : vector<512x128xi32>
    %shift_left3A = arith.constant 13 : i32
    %shift_left3A_24 = vector.broadcast %shift_left3A : i32 to vector<512x128xi32>
    %shift_left3A_25 = arith.shli %add3A_22, %shift_left3A_24 : vector<512x128xi32>
    %shift_right_logical3A = arith.constant 19 : i32
    %shift_right_logical3A_26 = vector.broadcast %shift_right_logical3A : i32 to vector<512x128xi32>
    %shift_right_logical3A_27 = arith.shrui %add3A_22, %shift_right_logical3A_26 : vector<512x128xi32>
    %or3A = arith.ori %shift_left3A_25, %shift_right_logical3A_27 : vector<512x128xi32>
    %xor3A_28 = arith.xori %add3A_23, %or3A : vector<512x128xi32>
    %add3A_29 = arith.addi %add3A_23, %xor3A_28 : vector<512x128xi32>
    %shift_left3A_30 = arith.constant 15 : i32
    %shift_left3A_31 = vector.broadcast %shift_left3A_30 : i32 to vector<512x128xi32>
    %shift_left3A_32 = arith.shli %xor3A_28, %shift_left3A_31 : vector<512x128xi32>
    %shift_right_logical3A_33 = arith.constant 17 : i32
    %shift_right_logical3A_34 = vector.broadcast %shift_right_logical3A_33 : i32 to vector<512x128xi32>
    %shift_right_logical3A_35 = arith.shrui %xor3A_28, %shift_right_logical3A_34 : vector<512x128xi32>
    %or3A_36 = arith.ori %shift_left3A_32, %shift_right_logical3A_35 : vector<512x128xi32>
    %xor3A_37 = arith.xori %add3A_29, %or3A_36 : vector<512x128xi32>
    %add3A_38 = arith.addi %add3A_29, %xor3A_37 : vector<512x128xi32>
    %shift_left3A_39 = arith.constant 26 : i32
    %shift_left3A_40 = vector.broadcast %shift_left3A_39 : i32 to vector<512x128xi32>
    %shift_left3A_41 = arith.shli %xor3A_37, %shift_left3A_40 : vector<512x128xi32>
    %shift_right_logical3A_42 = arith.constant 6 : i32
    %shift_right_logical3A_43 = vector.broadcast %shift_right_logical3A_42 : i32 to vector<512x128xi32>
    %shift_right_logical3A_44 = arith.shrui %xor3A_37, %shift_right_logical3A_43 : vector<512x128xi32>
    %or3A_45 = arith.ori %shift_left3A_41, %shift_right_logical3A_44 : vector<512x128xi32>
    %xor3A_46 = arith.xori %add3A_38, %or3A_45 : vector<512x128xi32>
    %add3A_47 = arith.addi %add3A_38, %xor3A_46 : vector<512x128xi32>
    %shift_left3A_48 = arith.constant 6 : i32
    %shift_left3A_49 = vector.broadcast %shift_left3A_48 : i32 to vector<512x128xi32>
    %shift_left3A_50 = arith.shli %xor3A_46, %shift_left3A_49 : vector<512x128xi32>
    %shift_right_logical3A_51 = arith.constant 26 : i32
    %shift_right_logical3A_52 = vector.broadcast %shift_right_logical3A_51 : i32 to vector<512x128xi32>
    %shift_right_logical3A_53 = arith.shrui %xor3A_46, %shift_right_logical3A_52 : vector<512x128xi32>
    %or3A_54 = arith.ori %shift_left3A_50, %shift_right_logical3A_53 : vector<512x128xi32>
    %xor3A_55 = arith.xori %add3A_47, %or3A_54 : vector<512x128xi32>
    %add3A_56 = vector.broadcast %get3A_4 : i32 to vector<512x128xi32>
    %add3A_57 = arith.addi %add3A_47, %add3A_56 : vector<512x128xi32>
    %add3A_58 = vector.broadcast %xor3A_18 : i32 to vector<512x128xi32>
    %add3A_59 = arith.addi %xor3A_55, %add3A_58 : vector<512x128xi32>
    %add3A_60 = arith.constant 1 : i32
    %add3A_61 = vector.broadcast %add3A_60 : i32 to vector<512x128xi32>
    %add3A_62 = arith.addi %add3A_59, %add3A_61 : vector<512x128xi32>
    %add3A_63 = arith.addi %add3A_57, %add3A_62 : vector<512x128xi32>
    %shift_left3A_64 = arith.constant 17 : i32
    %shift_left3A_65 = vector.broadcast %shift_left3A_64 : i32 to vector<512x128xi32>
    %shift_left3A_66 = arith.shli %add3A_62, %shift_left3A_65 : vector<512x128xi32>
    %shift_right_logical3A_67 = arith.constant 15 : i32
    %shift_right_logical3A_68 = vector.broadcast %shift_right_logical3A_67 : i32 to vector<512x128xi32>
    %shift_right_logical3A_69 = arith.shrui %add3A_62, %shift_right_logical3A_68 : vector<512x128xi32>
    %or3A_70 = arith.ori %shift_left3A_66, %shift_right_logical3A_69 : vector<512x128xi32>
    %xor3A_71 = arith.xori %add3A_63, %or3A_70 : vector<512x128xi32>
    %add3A_72 = arith.addi %add3A_63, %xor3A_71 : vector<512x128xi32>
    %shift_left3A_73 = arith.constant 29 : i32
    %shift_left3A_74 = vector.broadcast %shift_left3A_73 : i32 to vector<512x128xi32>
    %shift_left3A_75 = arith.shli %xor3A_71, %shift_left3A_74 : vector<512x128xi32>
    %shift_right_logical3A_76 = arith.constant 3 : i32
    %shift_right_logical3A_77 = vector.broadcast %shift_right_logical3A_76 : i32 to vector<512x128xi32>
    %shift_right_logical3A_78 = arith.shrui %xor3A_71, %shift_right_logical3A_77 : vector<512x128xi32>
    %or3A_79 = arith.ori %shift_left3A_75, %shift_right_logical3A_78 : vector<512x128xi32>
    %xor3A_80 = arith.xori %add3A_72, %or3A_79 : vector<512x128xi32>
    %add3A_81 = arith.addi %add3A_72, %xor3A_80 : vector<512x128xi32>
    %shift_left3A_82 = arith.constant 16 : i32
    %shift_left3A_83 = vector.broadcast %shift_left3A_82 : i32 to vector<512x128xi32>
    %shift_left3A_84 = arith.shli %xor3A_80, %shift_left3A_83 : vector<512x128xi32>
    %shift_right_logical3A_85 = arith.constant 16 : i32
    %shift_right_logical3A_86 = vector.broadcast %shift_right_logical3A_85 : i32 to vector<512x128xi32>
    %shift_right_logical3A_87 = arith.shrui %xor3A_80, %shift_right_logical3A_86 : vector<512x128xi32>
    %or3A_88 = arith.ori %shift_left3A_84, %shift_right_logical3A_87 : vector<512x128xi32>
    %xor3A_89 = arith.xori %add3A_81, %or3A_88 : vector<512x128xi32>
    %add3A_90 = arith.addi %add3A_81, %xor3A_89 : vector<512x128xi32>
    %shift_left3A_91 = arith.constant 24 : i32
    %shift_left3A_92 = vector.broadcast %shift_left3A_91 : i32 to vector<512x128xi32>
    %shift_left3A_93 = arith.shli %xor3A_89, %shift_left3A_92 : vector<512x128xi32>
    %shift_right_logical3A_94 = arith.constant 8 : i32
    %shift_right_logical3A_95 = vector.broadcast %shift_right_logical3A_94 : i32 to vector<512x128xi32>
    %shift_right_logical3A_96 = arith.shrui %xor3A_89, %shift_right_logical3A_95 : vector<512x128xi32>
    %or3A_97 = arith.ori %shift_left3A_93, %shift_right_logical3A_96 : vector<512x128xi32>
    %xor3A_98 = arith.xori %add3A_90, %or3A_97 : vector<512x128xi32>
    %add3A_99 = vector.broadcast %xor3A_18 : i32 to vector<512x128xi32>
    %add3A_100 = arith.addi %add3A_90, %add3A_99 : vector<512x128xi32>
    %add3A_101 = vector.broadcast %get3A_1 : i32 to vector<512x128xi32>
    %add3A_102 = arith.addi %xor3A_98, %add3A_101 : vector<512x128xi32>
    %add3A_103 = arith.constant 2 : i32
    %add3A_104 = vector.broadcast %add3A_103 : i32 to vector<512x128xi32>
    %add3A_105 = arith.addi %add3A_102, %add3A_104 : vector<512x128xi32>
    %add3A_106 = arith.addi %add3A_100, %add3A_105 : vector<512x128xi32>
    %shift_left3A_107 = arith.constant 13 : i32
    %shift_left3A_108 = vector.broadcast %shift_left3A_107 : i32 to vector<512x128xi32>
    %shift_left3A_109 = arith.shli %add3A_105, %shift_left3A_108 : vector<512x128xi32>
    %shift_right_logical3A_110 = arith.constant 19 : i32
    %shift_right_logical3A_111 = vector.broadcast %shift_right_logical3A_110 : i32 to vector<512x128xi32>
    %shift_right_logical3A_112 = arith.shrui %add3A_105, %shift_right_logical3A_111 : vector<512x128xi32>
    %or3A_113 = arith.ori %shift_left3A_109, %shift_right_logical3A_112 : vector<512x128xi32>
    %xor3A_114 = arith.xori %add3A_106, %or3A_113 : vector<512x128xi32>
    %add3A_115 = arith.addi %add3A_106, %xor3A_114 : vector<512x128xi32>
    %shift_left3A_116 = arith.constant 15 : i32
    %shift_left3A_117 = vector.broadcast %shift_left3A_116 : i32 to vector<512x128xi32>
    %shift_left3A_118 = arith.shli %xor3A_114, %shift_left3A_117 : vector<512x128xi32>
    %shift_right_logical3A_119 = arith.constant 17 : i32
    %shift_right_logical3A_120 = vector.broadcast %shift_right_logical3A_119 : i32 to vector<512x128xi32>
    %shift_right_logical3A_121 = arith.shrui %xor3A_114, %shift_right_logical3A_120 : vector<512x128xi32>
    %or3A_122 = arith.ori %shift_left3A_118, %shift_right_logical3A_121 : vector<512x128xi32>
    %xor3A_123 = arith.xori %add3A_115, %or3A_122 : vector<512x128xi32>
    %add3A_124 = arith.addi %add3A_115, %xor3A_123 : vector<512x128xi32>
    %shift_left3A_125 = arith.constant 26 : i32
    %shift_left3A_126 = vector.broadcast %shift_left3A_125 : i32 to vector<512x128xi32>
    %shift_left3A_127 = arith.shli %xor3A_123, %shift_left3A_126 : vector<512x128xi32>
    %shift_right_logical3A_128 = arith.constant 6 : i32
    %shift_right_logical3A_129 = vector.broadcast %shift_right_logical3A_128 : i32 to vector<512x128xi32>
    %shift_right_logical3A_130 = arith.shrui %xor3A_123, %shift_right_logical3A_129 : vector<512x128xi32>
    %or3A_131 = arith.ori %shift_left3A_127, %shift_right_logical3A_130 : vector<512x128xi32>
    %xor3A_132 = arith.xori %add3A_124, %or3A_131 : vector<512x128xi32>
    %add3A_133 = arith.addi %add3A_124, %xor3A_132 : vector<512x128xi32>
    %shift_left3A_134 = arith.constant 6 : i32
    %shift_left3A_135 = vector.broadcast %shift_left3A_134 : i32 to vector<512x128xi32>
    %shift_left3A_136 = arith.shli %xor3A_132, %shift_left3A_135 : vector<512x128xi32>
    %shift_right_logical3A_137 = arith.constant 26 : i32
    %shift_right_logical3A_138 = vector.broadcast %shift_right_logical3A_137 : i32 to vector<512x128xi32>
    %shift_right_logical3A_139 = arith.shrui %xor3A_132, %shift_right_logical3A_138 : vector<512x128xi32>
    %or3A_140 = arith.ori %shift_left3A_136, %shift_right_logical3A_139 : vector<512x128xi32>
    %xor3A_141 = arith.xori %add3A_133, %or3A_140 : vector<512x128xi32>
    %add3A_142 = vector.broadcast %get3A_1 : i32 to vector<512x128xi32>
    %add3A_143 = arith.addi %add3A_133, %add3A_142 : vector<512x128xi32>
    %add3A_144 = vector.broadcast %get3A_4 : i32 to vector<512x128xi32>
    %add3A_145 = arith.addi %xor3A_141, %add3A_144 : vector<512x128xi32>
    %add3A_146 = arith.constant 3 : i32
    %add3A_147 = vector.broadcast %add3A_146 : i32 to vector<512x128xi32>
    %add3A_148 = arith.addi %add3A_145, %add3A_147 : vector<512x128xi32>
    %add3A_149 = arith.addi %add3A_143, %add3A_148 : vector<512x128xi32>
    %shift_left3A_150 = arith.constant 17 : i32
    %shift_left3A_151 = vector.broadcast %shift_left3A_150 : i32 to vector<512x128xi32>
    %shift_left3A_152 = arith.shli %add3A_148, %shift_left3A_151 : vector<512x128xi32>
    %shift_right_logical3A_153 = arith.constant 15 : i32
    %shift_right_logical3A_154 = vector.broadcast %shift_right_logical3A_153 : i32 to vector<512x128xi32>
    %shift_right_logical3A_155 = arith.shrui %add3A_148, %shift_right_logical3A_154 : vector<512x128xi32>
    %or3A_156 = arith.ori %shift_left3A_152, %shift_right_logical3A_155 : vector<512x128xi32>
    %xor3A_157 = arith.xori %add3A_149, %or3A_156 : vector<512x128xi32>
    %add3A_158 = arith.addi %add3A_149, %xor3A_157 : vector<512x128xi32>
    %shift_left3A_159 = arith.constant 29 : i32
    %shift_left3A_160 = vector.broadcast %shift_left3A_159 : i32 to vector<512x128xi32>
    %shift_left3A_161 = arith.shli %xor3A_157, %shift_left3A_160 : vector<512x128xi32>
    %shift_right_logical3A_162 = arith.constant 3 : i32
    %shift_right_logical3A_163 = vector.broadcast %shift_right_logical3A_162 : i32 to vector<512x128xi32>
    %shift_right_logical3A_164 = arith.shrui %xor3A_157, %shift_right_logical3A_163 : vector<512x128xi32>
    %or3A_165 = arith.ori %shift_left3A_161, %shift_right_logical3A_164 : vector<512x128xi32>
    %xor3A_166 = arith.xori %add3A_158, %or3A_165 : vector<512x128xi32>
    %add3A_167 = arith.addi %add3A_158, %xor3A_166 : vector<512x128xi32>
    %shift_left3A_168 = arith.constant 16 : i32
    %shift_left3A_169 = vector.broadcast %shift_left3A_168 : i32 to vector<512x128xi32>
    %shift_left3A_170 = arith.shli %xor3A_166, %shift_left3A_169 : vector<512x128xi32>
    %shift_right_logical3A_171 = arith.constant 16 : i32
    %shift_right_logical3A_172 = vector.broadcast %shift_right_logical3A_171 : i32 to vector<512x128xi32>
    %shift_right_logical3A_173 = arith.shrui %xor3A_166, %shift_right_logical3A_172 : vector<512x128xi32>
    %or3A_174 = arith.ori %shift_left3A_170, %shift_right_logical3A_173 : vector<512x128xi32>
    %xor3A_175 = arith.xori %add3A_167, %or3A_174 : vector<512x128xi32>
    %add3A_176 = arith.addi %add3A_167, %xor3A_175 : vector<512x128xi32>
    %shift_left3A_177 = arith.constant 24 : i32
    %shift_left3A_178 = vector.broadcast %shift_left3A_177 : i32 to vector<512x128xi32>
    %shift_left3A_179 = arith.shli %xor3A_175, %shift_left3A_178 : vector<512x128xi32>
    %shift_right_logical3A_180 = arith.constant 8 : i32
    %shift_right_logical3A_181 = vector.broadcast %shift_right_logical3A_180 : i32 to vector<512x128xi32>
    %shift_right_logical3A_182 = arith.shrui %xor3A_175, %shift_right_logical3A_181 : vector<512x128xi32>
    %or3A_183 = arith.ori %shift_left3A_179, %shift_right_logical3A_182 : vector<512x128xi32>
    %xor3A_184 = arith.xori %add3A_176, %or3A_183 : vector<512x128xi32>
    %add3A_185 = vector.broadcast %get3A_4 : i32 to vector<512x128xi32>
    %add3A_186 = arith.addi %add3A_176, %add3A_185 : vector<512x128xi32>
    %add3A_187 = vector.broadcast %xor3A_18 : i32 to vector<512x128xi32>
    %add3A_188 = arith.addi %xor3A_184, %add3A_187 : vector<512x128xi32>
    %add3A_189 = arith.constant 4 : i32
    %add3A_190 = vector.broadcast %add3A_189 : i32 to vector<512x128xi32>
    %add3A_191 = arith.addi %add3A_188, %add3A_190 : vector<512x128xi32>
    %add3A_192 = arith.addi %add3A_186, %add3A_191 : vector<512x128xi32>
    %shift_left3A_193 = arith.constant 13 : i32
    %shift_left3A_194 = vector.broadcast %shift_left3A_193 : i32 to vector<512x128xi32>
    %shift_left3A_195 = arith.shli %add3A_191, %shift_left3A_194 : vector<512x128xi32>
    %shift_right_logical3A_196 = arith.constant 19 : i32
    %shift_right_logical3A_197 = vector.broadcast %shift_right_logical3A_196 : i32 to vector<512x128xi32>
    %shift_right_logical3A_198 = arith.shrui %add3A_191, %shift_right_logical3A_197 : vector<512x128xi32>
    %or3A_199 = arith.ori %shift_left3A_195, %shift_right_logical3A_198 : vector<512x128xi32>
    %xor3A_200 = arith.xori %add3A_192, %or3A_199 : vector<512x128xi32>
    %add3A_201 = arith.addi %add3A_192, %xor3A_200 : vector<512x128xi32>
    %shift_left3A_202 = arith.constant 15 : i32
    %shift_left3A_203 = vector.broadcast %shift_left3A_202 : i32 to vector<512x128xi32>
    %shift_left3A_204 = arith.shli %xor3A_200, %shift_left3A_203 : vector<512x128xi32>
    %shift_right_logical3A_205 = arith.constant 17 : i32
    %shift_right_logical3A_206 = vector.broadcast %shift_right_logical3A_205 : i32 to vector<512x128xi32>
    %shift_right_logical3A_207 = arith.shrui %xor3A_200, %shift_right_logical3A_206 : vector<512x128xi32>
    %or3A_208 = arith.ori %shift_left3A_204, %shift_right_logical3A_207 : vector<512x128xi32>
    %xor3A_209 = arith.xori %add3A_201, %or3A_208 : vector<512x128xi32>
    %add3A_210 = arith.addi %add3A_201, %xor3A_209 : vector<512x128xi32>
    %shift_left3A_211 = arith.constant 26 : i32
    %shift_left3A_212 = vector.broadcast %shift_left3A_211 : i32 to vector<512x128xi32>
    %shift_left3A_213 = arith.shli %xor3A_209, %shift_left3A_212 : vector<512x128xi32>
    %shift_right_logical3A_214 = arith.constant 6 : i32
    %shift_right_logical3A_215 = vector.broadcast %shift_right_logical3A_214 : i32 to vector<512x128xi32>
    %shift_right_logical3A_216 = arith.shrui %xor3A_209, %shift_right_logical3A_215 : vector<512x128xi32>
    %or3A_217 = arith.ori %shift_left3A_213, %shift_right_logical3A_216 : vector<512x128xi32>
    %xor3A_218 = arith.xori %add3A_210, %or3A_217 : vector<512x128xi32>
    %add3A_219 = arith.addi %add3A_210, %xor3A_218 : vector<512x128xi32>
    %shift_left3A_220 = arith.constant 6 : i32
    %shift_left3A_221 = vector.broadcast %shift_left3A_220 : i32 to vector<512x128xi32>
    %shift_left3A_222 = arith.shli %xor3A_218, %shift_left3A_221 : vector<512x128xi32>
    %shift_right_logical3A_223 = arith.constant 26 : i32
    %shift_right_logical3A_224 = vector.broadcast %shift_right_logical3A_223 : i32 to vector<512x128xi32>
    %shift_right_logical3A_225 = arith.shrui %xor3A_218, %shift_right_logical3A_224 : vector<512x128xi32>
    %or3A_226 = arith.ori %shift_left3A_222, %shift_right_logical3A_225 : vector<512x128xi32>
    %xor3A_227 = arith.xori %add3A_219, %or3A_226 : vector<512x128xi32>
    %add3A_228 = vector.broadcast %xor3A_18 : i32 to vector<512x128xi32>
    %add3A_229 = arith.addi %add3A_219, %add3A_228 : vector<512x128xi32>
    %add3A_230 = vector.broadcast %get3A_1 : i32 to vector<512x128xi32>
    %add3A_231 = arith.addi %xor3A_227, %add3A_230 : vector<512x128xi32>
    %add3A_232 = arith.constant 5 : i32
    %add3A_233 = vector.broadcast %add3A_232 : i32 to vector<512x128xi32>
    %add3A_234 = arith.addi %add3A_231, %add3A_233 : vector<512x128xi32>
    %xor3A_235 = arith.xori %add3A_229, %add3A_234 : vector<512x128xi32>
    %shift_right_logical3A_236 = arith.constant 9 : i32
    %shift_right_logical3A_237 = vector.broadcast %shift_right_logical3A_236 : i32 to vector<512x128xi32>
    %shift_right_logical3A_238 = arith.shrui %xor3A_235, %shift_right_logical3A_237 : vector<512x128xi32>
    %ge3A = arith.constant 1677722 : i32
    %ge3A_239 = vector.broadcast %ge3A : i32 to vector<512x128xi32>
    %ge3A_240 = arith.cmpi sge, %shift_right_logical3A_238, %ge3A_239 : vector<512x128xi32>
    %get3A_241 = arith.constant 0 : index
    %get3A_242 = arith.constant 0 : index
    %get3A_243 = arith.constant 0 : index
    %get3A_244 = arith.constant 0 : index
    %get3A_245 = vector.load %arg7[%get3A_241, %get3A_242, %get3A_243, %get3A_244] : memref<1x1x512x128xf32, #tpu.memory_space<vmem>>, vector<1x1x512x128xf32>
    %get3A_246 = vector.shape_cast %get3A_245 : vector<1x1x512x128xf32> to vector<512x128xf32>
    %jit3A = arith.constant 0.000000e+00 : f32
    %broadcast_in_dim3A_247 = vector.broadcast %jit3A : f32 to vector<512x128xf32>
    %select_n3A = arith.select %ge3A_240, %get3A_246, %broadcast_in_dim3A_247 : vector<512x128xi1>, vector<512x128xf32>
    %swap3A = arith.constant 0 : index
    %swap3A_248 = arith.constant 0 : index
    %swap3A_249 = arith.constant 0 : index
    %swap3A_250 = arith.constant 0 : index
    %swap3A_251 = vector.load %arg11[%swap3A, %swap3A_248, %swap3A_249, %swap3A_250] : memref<1x4x512x128xf32, #tpu.memory_space<vmem>>, vector<1x1x512x128xf32>
    %swap3A_252 = vector.shape_cast %swap3A_251 : vector<1x1x512x128xf32> to vector<512x128xf32>
    %swap3A_253 = vector.shape_cast %select_n3A : vector<512x128xf32> to vector<1x1x512x128xf32>
    tpu.vector_store %arg11[%swap3A, %swap3A_248, %swap3A_249, %swap3A_250], %swap3A_253 {strides = array<i32>} : memref<1x4x512x128xf32, #tpu.memory_space<vmem>>, vector<1x1x512x128xf32>,
    %get3A_254 = arith.index_cast %arg0 : i32 to index
    %get3A_255 = arith.index_cast %add3A_11 : i32 to index
    %get3A_256 = memref.load %arg2[%get3A_254, %get3A_255] : memref<4x100xi32, #tpu.memory_space<smem>>
    %get3A_257 = arith.index_cast %arg0 : i32 to index
    %get3A_258 = arith.index_cast %get3A_256 : i32 to index
    %get3A_259 = memref.load %arg6[%get3A_257, %get3A_258] : memref<4x50xi32, #tpu.memory_space<smem>>
    %get3A_260 = arith.index_cast %arg0 : i32 to index
    %get3A_261 = arith.index_cast %add3A_11 : i32 to index
    %get3A_262 = memref.load %arg4[%get3A_260, %get3A_261] : memref<4x100xi32, #tpu.memory_space<smem>>
    %ne3A = arith.constant 0 : i32
    %ne3A_263 = arith.cmpi ne, %get3A_262, %ne3A : i32
    %get3A_264 = arith.index_cast %arg0 : i32 to index
    %get3A_265 = arith.index_cast %add3A_11 : i32 to index
    %get3A_266 = memref.load %arg5[%get3A_264, %get3A_265] : memref<4x100xi32, #tpu.memory_space<smem>>
    %select_n3A_267 = arith.select %ne3A_263, %get3A_266, %get3A_259 : i32
    %swap3A_268 = arith.constant 0 : index
    %swap3A_269 = arith.constant 0 : index
    %swap3A_270 = arith.constant 0 : index
    %swap3A_271 = arith.constant 0 : index
    %swap3A_272 = memref.load %arg12[%swap3A_268, %swap3A_269, %swap3A_270, %swap3A_271] : memref<1x4x1x1xi32, #tpu.memory_space<smem>>
    memref.store %select_n3A_267, %arg12[%swap3A_268, %swap3A_269, %swap3A_270, %swap3A_271] : memref<1x4x1x1xi32, #tpu.memory_space<smem>>
    %mul3A_273 = arith.constant 4 : i32
    %mul3A_274 = arith.muli %arg1, %mul3A_273 : i32
    %add3A_275 = arith.constant 1 : i32
    %add3A_276 = arith.addi %mul3A_274, %add3A_275 : i32
    %mul3A_277 = arith.constant 65536 : i32
    %mul3A_278 = arith.muli %add3A_276, %mul3A_277 : i32
    %add3A_279 = vector.broadcast %mul3A_278 : i32 to vector<512x128xi32>
    %add3A_280 = arith.addi %add3A, %add3A_279 : vector<512x128xi32>
    %broadcast_in_dim3A_281 = arith.constant 0 : i32
    %broadcast_in_dim3A_282 = vector.broadcast %broadcast_in_dim3A_281 : i32 to vector<512x128xi32>
    %xor3A_283 = arith.xori %get3A_1, %get3A_4 : i32
    %xor3A_284 = arith.constant 466688986 : i32
    %xor3A_285 = arith.xori %xor3A_283, %xor3A_284 : i32
    %add3A_286 = vector.broadcast %get3A_1 : i32 to vector<512x128xi32>
    %add3A_287 = arith.addi %broadcast_in_dim3A_282, %add3A_286 : vector<512x128xi32>
    %add3A_288 = vector.broadcast %get3A_4 : i32 to vector<512x128xi32>
    %add3A_289 = arith.addi %add3A_280, %add3A_288 : vector<512x128xi32>
    %add3A_290 = arith.addi %add3A_287, %add3A_289 : vector<512x128xi32>
    %shift_left3A_291 = arith.constant 13 : i32
    %shift_left3A_292 = vector.broadcast %shift_left3A_291 : i32 to vector<512x128xi32>
    %shift_left3A_293 = arith.shli %add3A_289, %shift_left3A_292 : vector<512x128xi32>
    %shift_right_logical3A_294 = arith.constant 19 : i32
    %shift_right_logical3A_295 = vector.broadcast %shift_right_logical3A_294 : i32 to vector<512x128xi32>
    %shift_right_logical3A_296 = arith.shrui %add3A_289, %shift_right_logical3A_295 : vector<512x128xi32>
    %or3A_297 = arith.ori %shift_left3A_293, %shift_right_logical3A_296 : vector<512x128xi32>
    %xor3A_298 = arith.xori %add3A_290, %or3A_297 : vector<512x128xi32>
    %add3A_299 = arith.addi %add3A_290, %xor3A_298 : vector<512x128xi32>
    %shift_left3A_300 = arith.constant 15 : i32
    %shift_left3A_301 = vector.broadcast %shift_left3A_300 : i32 to vector<512x128xi32>
    %shift_left3A_302 = arith.shli %xor3A_298, %shift_left3A_301 : vector<512x128xi32>
    %shift_right_logical3A_303 = arith.constant 17 : i32
    %shift_right_logical3A_304 = vector.broadcast %shift_right_logical3A_303 : i32 to vector<512x128xi32>
    %shift_right_logical3A_305 = arith.shrui %xor3A_298, %shift_right_logical3A_304 : vector<512x128xi32>
    %or3A_306 = arith.ori %shift_left3A_302, %shift_right_logical3A_305 : vector<512x128xi32>
    %xor3A_307 = arith.xori %add3A_299, %or3A_306 : vector<512x128xi32>
    %add3A_308 = arith.addi %add3A_299, %xor3A_307 : vector<512x128xi32>
    %shift_left3A_309 = arith.constant 26 : i32
    %shift_left3A_310 = vector.broadcast %shift_left3A_309 : i32 to vector<512x128xi32>
    %shift_left3A_311 = arith.shli %xor3A_307, %shift_left3A_310 : vector<512x128xi32>
    %shift_right_logical3A_312 = arith.constant 6 : i32
    %shift_right_logical3A_313 = vector.broadcast %shift_right_logical3A_312 : i32 to vector<512x128xi32>
    %shift_right_logical3A_314 = arith.shrui %xor3A_307, %shift_right_logical3A_313 : vector<512x128xi32>
    %or3A_315 = arith.ori %shift_left3A_311, %shift_right_logical3A_314 : vector<512x128xi32>
    %xor3A_316 = arith.xori %add3A_308, %or3A_315 : vector<512x128xi32>
    %add3A_317 = arith.addi %add3A_308, %xor3A_316 : vector<512x128xi32>
    %shift_left3A_318 = arith.constant 6 : i32
    %shift_left3A_319 = vector.broadcast %shift_left3A_318 : i32 to vector<512x128xi32>
    %shift_left3A_320 = arith.shli %xor3A_316, %shift_left3A_319 : vector<512x128xi32>
    %shift_right_logical3A_321 = arith.constant 26 : i32
    %shift_right_logical3A_322 = vector.broadcast %shift_right_logical3A_321 : i32 to vector<512x128xi32>
    %shift_right_logical3A_323 = arith.shrui %xor3A_316, %shift_right_logical3A_322 : vector<512x128xi32>
    %or3A_324 = arith.ori %shift_left3A_320, %shift_right_logical3A_323 : vector<512x128xi32>
    %xor3A_325 = arith.xori %add3A_317, %or3A_324 : vector<512x128xi32>
    %add3A_326 = vector.broadcast %get3A_4 : i32 to vector<512x128xi32>
    %add3A_327 = arith.addi %add3A_317, %add3A_326 : vector<512x128xi32>
    %add3A_328 = vector.broadcast %xor3A_285 : i32 to vector<512x128xi32>
    %add3A_329 = arith.addi %xor3A_325, %add3A_328 : vector<512x128xi32>
    %add3A_330 = arith.constant 1 : i32
    %add3A_331 = vector.broadcast %add3A_330 : i32 to vector<512x128xi32>
    %add3A_332 = arith.addi %add3A_329, %add3A_331 : vector<512x128xi32>
    %add3A_333 = arith.addi %add3A_327, %add3A_332 : vector<512x128xi32>
    %shift_left3A_334 = arith.constant 17 : i32
    %shift_left3A_335 = vector.broadcast %shift_left3A_334 : i32 to vector<512x128xi32>
    %shift_left3A_336 = arith.shli %add3A_332, %shift_left3A_335 : vector<512x128xi32>
    %shift_right_logical3A_337 = arith.constant 15 : i32
    %shift_right_logical3A_338 = vector.broadcast %shift_right_logical3A_337 : i32 to vector<512x128xi32>
    %shift_right_logical3A_339 = arith.shrui %add3A_332, %shift_right_logical3A_338 : vector<512x128xi32>
    %or3A_340 = arith.ori %shift_left3A_336, %shift_right_logical3A_339 : vector<512x128xi32>
    %xor3A_341 = arith.xori %add3A_333, %or3A_340 : vector<512x128xi32>
    %add3A_342 = arith.addi %add3A_333, %xor3A_341 : vector<512x128xi32>
    %shift_left3A_343 = arith.constant 29 : i32
    %shift_left3A_344 = vector.broadcast %shift_left3A_343 : i32 to vector<512x128xi32>
    %shift_left3A_345 = arith.shli %xor3A_341, %shift_left3A_344 : vector<512x128xi32>
    %shift_right_logical3A_346 = arith.constant 3 : i32
    %shift_right_logical3A_347 = vector.broadcast %shift_right_logical3A_346 : i32 to vector<512x128xi32>
    %shift_right_logical3A_348 = arith.shrui %xor3A_341, %shift_right_logical3A_347 : vector<512x128xi32>
    %or3A_349 = arith.ori %shift_left3A_345, %shift_right_logical3A_348 : vector<512x128xi32>
    %xor3A_350 = arith.xori %add3A_342, %or3A_349 : vector<512x128xi32>
    %add3A_351 = arith.addi %add3A_342, %xor3A_350 : vector<512x128xi32>
    %shift_left3A_352 = arith.constant 16 : i32
    %shift_left3A_353 = vector.broadcast %shift_left3A_352 : i32 to vector<512x128xi32>
    %shift_left3A_354 = arith.shli %xor3A_350, %shift_left3A_353 : vector<512x128xi32>
    %shift_right_logical3A_355 = arith.constant 16 : i32
    %shift_right_logical3A_356 = vector.broadcast %shift_right_logical3A_355 : i32 to vector<512x128xi32>
    %shift_right_logical3A_357 = arith.shrui %xor3A_350, %shift_right_logical3A_356 : vector<512x128xi32>
    %or3A_358 = arith.ori %shift_left3A_354, %shift_right_logical3A_357 : vector<512x128xi32>
    %xor3A_359 = arith.xori %add3A_351, %or3A_358 : vector<512x128xi32>
    %add3A_360 = arith.addi %add3A_351, %xor3A_359 : vector<512x128xi32>
    %shift_left3A_361 = arith.constant 24 : i32
    %shift_left3A_362 = vector.broadcast %shift_left3A_361 : i32 to vector<512x128xi32>
    %shift_left3A_363 = arith.shli %xor3A_359, %shift_left3A_362 : vector<512x128xi32>
    %shift_right_logical3A_364 = arith.constant 8 : i32
    %shift_right_logical3A_365 = vector.broadcast %shift_right_logical3A_364 : i32 to vector<512x128xi32>
    %shift_right_logical3A_366 = arith.shrui %xor3A_359, %shift_right_logical3A_365 : vector<512x128xi32>
    %or3A_367 = arith.ori %shift_left3A_363, %shift_right_logical3A_366 : vector<512x128xi32>
    %xor3A_368 = arith.xori %add3A_360, %or3A_367 : vector<512x128xi32>
    %add3A_369 = vector.broadcast %xor3A_285 : i32 to vector<512x128xi32>
    %add3A_370 = arith.addi %add3A_360, %add3A_369 : vector<512x128xi32>
    %add3A_371 = vector.broadcast %get3A_1 : i32 to vector<512x128xi32>
    %add3A_372 = arith.addi %xor3A_368, %add3A_371 : vector<512x128xi32>
    %add3A_373 = arith.constant 2 : i32
    %add3A_374 = vector.broadcast %add3A_373 : i32 to vector<512x128xi32>
    %add3A_375 = arith.addi %add3A_372, %add3A_374 : vector<512x128xi32>
    %add3A_376 = arith.addi %add3A_370, %add3A_375 : vector<512x128xi32>
    %shift_left3A_377 = arith.constant 13 : i32
    %shift_left3A_378 = vector.broadcast %shift_left3A_377 : i32 to vector<512x128xi32>
    %shift_left3A_379 = arith.shli %add3A_375, %shift_left3A_378 : vector<512x128xi32>
    %shift_right_logical3A_380 = arith.constant 19 : i32
    %shift_right_logical3A_381 = vector.broadcast %shift_right_logical3A_380 : i32 to vector<512x128xi32>
    %shift_right_logical3A_382 = arith.shrui %add3A_375, %shift_right_logical3A_381 : vector<512x128xi32>
    %or3A_383 = arith.ori %shift_left3A_379, %shift_right_logical3A_382 : vector<512x128xi32>
    %xor3A_384 = arith.xori %add3A_376, %or3A_383 : vector<512x128xi32>
    %add3A_385 = arith.addi %add3A_376, %xor3A_384 : vector<512x128xi32>
    %shift_left3A_386 = arith.constant 15 : i32
    %shift_left3A_387 = vector.broadcast %shift_left3A_386 : i32 to vector<512x128xi32>
    %shift_left3A_388 = arith.shli %xor3A_384, %shift_left3A_387 : vector<512x128xi32>
    %shift_right_logical3A_389 = arith.constant 17 : i32
    %shift_right_logical3A_390 = vector.broadcast %shift_right_logical3A_389 : i32 to vector<512x128xi32>
    %shift_right_logical3A_391 = arith.shrui %xor3A_384, %shift_right_logical3A_390 : vector<512x128xi32>
    %or3A_392 = arith.ori %shift_left3A_388, %shift_right_logical3A_391 : vector<512x128xi32>
    %xor3A_393 = arith.xori %add3A_385, %or3A_392 : vector<512x128xi32>
    %add3A_394 = arith.addi %add3A_385, %xor3A_393 : vector<512x128xi32>
    %shift_left3A_395 = arith.constant 26 : i32
    %shift_left3A_396 = vector.broadcast %shift_left3A_395 : i32 to vector<512x128xi32>
    %shift_left3A_397 = arith.shli %xor3A_393, %shift_left3A_396 : vector<512x128xi32>
    %shift_right_logical3A_398 = arith.constant 6 : i32
    %shift_right_logical3A_399 = vector.broadcast %shift_right_logical3A_398 : i32 to vector<512x128xi32>
    %shift_right_logical3A_400 = arith.shrui %xor3A_393, %shift_right_logical3A_399 : vector<512x128xi32>
    %or3A_401 = arith.ori %shift_left3A_397, %shift_right_logical3A_400 : vector<512x128xi32>
    %xor3A_402 = arith.xori %add3A_394, %or3A_401 : vector<512x128xi32>
    %add3A_403 = arith.addi %add3A_394, %xor3A_402 : vector<512x128xi32>
    %shift_left3A_404 = arith.constant 6 : i32
    %shift_left3A_405 = vector.broadcast %shift_left3A_404 : i32 to vector<512x128xi32>
    %shift_left3A_406 = arith.shli %xor3A_402, %shift_left3A_405 : vector<512x128xi32>
    %shift_right_logical3A_407 = arith.constant 26 : i32
    %shift_right_logical3A_408 = vector.broadcast %shift_right_logical3A_407 : i32 to vector<512x128xi32>
    %shift_right_logical3A_409 = arith.shrui %xor3A_402, %shift_right_logical3A_408 : vector<512x128xi32>
    %or3A_410 = arith.ori %shift_left3A_406, %shift_right_logical3A_409 : vector<512x128xi32>
    %xor3A_411 = arith.xori %add3A_403, %or3A_410 : vector<512x128xi32>
    %add3A_412 = vector.broadcast %get3A_1 : i32 to vector<512x128xi32>
    %add3A_413 = arith.addi %add3A_403, %add3A_412 : vector<512x128xi32>
    %add3A_414 = vector.broadcast %get3A_4 : i32 to vector<512x128xi32>
    %add3A_415 = arith.addi %xor3A_411, %add3A_414 : vector<512x128xi32>
    %add3A_416 = arith.constant 3 : i32
    %add3A_417 = vector.broadcast %add3A_416 : i32 to vector<512x128xi32>
    %add3A_418 = arith.addi %add3A_415, %add3A_417 : vector<512x128xi32>
    %add3A_419 = arith.addi %add3A_413, %add3A_418 : vector<512x128xi32>
    %shift_left3A_420 = arith.constant 17 : i32
    %shift_left3A_421 = vector.broadcast %shift_left3A_420 : i32 to vector<512x128xi32>
    %shift_left3A_422 = arith.shli %add3A_418, %shift_left3A_421 : vector<512x128xi32>
    %shift_right_logical3A_423 = arith.constant 15 : i32
    %shift_right_logical3A_424 = vector.broadcast %shift_right_logical3A_423 : i32 to vector<512x128xi32>
    %shift_right_logical3A_425 = arith.shrui %add3A_418, %shift_right_logical3A_424 : vector<512x128xi32>
    %or3A_426 = arith.ori %shift_left3A_422, %shift_right_logical3A_425 : vector<512x128xi32>
    %xor3A_427 = arith.xori %add3A_419, %or3A_426 : vector<512x128xi32>
    %add3A_428 = arith.addi %add3A_419, %xor3A_427 : vector<512x128xi32>
    %shift_left3A_429 = arith.constant 29 : i32
    %shift_left3A_430 = vector.broadcast %shift_left3A_429 : i32 to vector<512x128xi32>
    %shift_left3A_431 = arith.shli %xor3A_427, %shift_left3A_430 : vector<512x128xi32>
    %shift_right_logical3A_432 = arith.constant 3 : i32
    %shift_right_logical3A_433 = vector.broadcast %shift_right_logical3A_432 : i32 to vector<512x128xi32>
    %shift_right_logical3A_434 = arith.shrui %xor3A_427, %shift_right_logical3A_433 : vector<512x128xi32>
    %or3A_435 = arith.ori %shift_left3A_431, %shift_right_logical3A_434 : vector<512x128xi32>
    %xor3A_436 = arith.xori %add3A_428, %or3A_435 : vector<512x128xi32>
    %add3A_437 = arith.addi %add3A_428, %xor3A_436 : vector<512x128xi32>
    %shift_left3A_438 = arith.constant 16 : i32
    %shift_left3A_439 = vector.broadcast %shift_left3A_438 : i32 to vector<512x128xi32>
    %shift_left3A_440 = arith.shli %xor3A_436, %shift_left3A_439 : vector<512x128xi32>
    %shift_right_logical3A_441 = arith.constant 16 : i32
    %shift_right_logical3A_442 = vector.broadcast %shift_right_logical3A_441 : i32 to vector<512x128xi32>
    %shift_right_logical3A_443 = arith.shrui %xor3A_436, %shift_right_logical3A_442 : vector<512x128xi32>
    %or3A_444 = arith.ori %shift_left3A_440, %shift_right_logical3A_443 : vector<512x128xi32>
    %xor3A_445 = arith.xori %add3A_437, %or3A_444 : vector<512x128xi32>
    %add3A_446 = arith.addi %add3A_437, %xor3A_445 : vector<512x128xi32>
    %shift_left3A_447 = arith.constant 24 : i32
    %shift_left3A_448 = vector.broadcast %shift_left3A_447 : i32 to vector<512x128xi32>
    %shift_left3A_449 = arith.shli %xor3A_445, %shift_left3A_448 : vector<512x128xi32>
    %shift_right_logical3A_450 = arith.constant 8 : i32
    %shift_right_logical3A_451 = vector.broadcast %shift_right_logical3A_450 : i32 to vector<512x128xi32>
    %shift_right_logical3A_452 = arith.shrui %xor3A_445, %shift_right_logical3A_451 : vector<512x128xi32>
    %or3A_453 = arith.ori %shift_left3A_449, %shift_right_logical3A_452 : vector<512x128xi32>
    %xor3A_454 = arith.xori %add3A_446, %or3A_453 : vector<512x128xi32>
    %add3A_455 = vector.broadcast %get3A_4 : i32 to vector<512x128xi32>
    %add3A_456 = arith.addi %add3A_446, %add3A_455 : vector<512x128xi32>
    %add3A_457 = vector.broadcast %xor3A_285 : i32 to vector<512x128xi32>
    %add3A_458 = arith.addi %xor3A_454, %add3A_457 : vector<512x128xi32>
    %add3A_459 = arith.constant 4 : i32
    %add3A_460 = vector.broadcast %add3A_459 : i32 to vector<512x128xi32>
    %add3A_461 = arith.addi %add3A_458, %add3A_460 : vector<512x128xi32>
    %add3A_462 = arith.addi %add3A_456, %add3A_461 : vector<512x128xi32>
    %shift_left3A_463 = arith.constant 13 : i32
    %shift_left3A_464 = vector.broadcast %shift_left3A_463 : i32 to vector<512x128xi32>
    %shift_left3A_465 = arith.shli %add3A_461, %shift_left3A_464 : vector<512x128xi32>
    %shift_right_logical3A_466 = arith.constant 19 : i32
    %shift_right_logical3A_467 = vector.broadcast %shift_right_logical3A_466 : i32 to vector<512x128xi32>
    %shift_right_logical3A_468 = arith.shrui %add3A_461, %shift_right_logical3A_467 : vector<512x128xi32>
    %or3A_469 = arith.ori %shift_left3A_465, %shift_right_logical3A_468 : vector<512x128xi32>
    %xor3A_470 = arith.xori %add3A_462, %or3A_469 : vector<512x128xi32>
    %add3A_471 = arith.addi %add3A_462, %xor3A_470 : vector<512x128xi32>
    %shift_left3A_472 = arith.constant 15 : i32
    %shift_left3A_473 = vector.broadcast %shift_left3A_472 : i32 to vector<512x128xi32>
    %shift_left3A_474 = arith.shli %xor3A_470, %shift_left3A_473 : vector<512x128xi32>
    %shift_right_logical3A_475 = arith.constant 17 : i32
    %shift_right_logical3A_476 = vector.broadcast %shift_right_logical3A_475 : i32 to vector<512x128xi32>
    %shift_right_logical3A_477 = arith.shrui %xor3A_470, %shift_right_logical3A_476 : vector<512x128xi32>
    %or3A_478 = arith.ori %shift_left3A_474, %shift_right_logical3A_477 : vector<512x128xi32>
    %xor3A_479 = arith.xori %add3A_471, %or3A_478 : vector<512x128xi32>
    %add3A_480 = arith.addi %add3A_471, %xor3A_479 : vector<512x128xi32>
    %shift_left3A_481 = arith.constant 26 : i32
    %shift_left3A_482 = vector.broadcast %shift_left3A_481 : i32 to vector<512x128xi32>
    %shift_left3A_483 = arith.shli %xor3A_479, %shift_left3A_482 : vector<512x128xi32>
    %shift_right_logical3A_484 = arith.constant 6 : i32
    %shift_right_logical3A_485 = vector.broadcast %shift_right_logical3A_484 : i32 to vector<512x128xi32>
    %shift_right_logical3A_486 = arith.shrui %xor3A_479, %shift_right_logical3A_485 : vector<512x128xi32>
    %or3A_487 = arith.ori %shift_left3A_483, %shift_right_logical3A_486 : vector<512x128xi32>
    %xor3A_488 = arith.xori %add3A_480, %or3A_487 : vector<512x128xi32>
    %add3A_489 = arith.addi %add3A_480, %xor3A_488 : vector<512x128xi32>
    %shift_left3A_490 = arith.constant 6 : i32
    %shift_left3A_491 = vector.broadcast %shift_left3A_490 : i32 to vector<512x128xi32>
    %shift_left3A_492 = arith.shli %xor3A_488, %shift_left3A_491 : vector<512x128xi32>
    %shift_right_logical3A_493 = arith.constant 26 : i32
    %shift_right_logical3A_494 = vector.broadcast %shift_right_logical3A_493 : i32 to vector<512x128xi32>
    %shift_right_logical3A_495 = arith.shrui %xor3A_488, %shift_right_logical3A_494 : vector<512x128xi32>
    %or3A_496 = arith.ori %shift_left3A_492, %shift_right_logical3A_495 : vector<512x128xi32>
    %xor3A_497 = arith.xori %add3A_489, %or3A_496 : vector<512x128xi32>
    %add3A_498 = vector.broadcast %xor3A_285 : i32 to vector<512x128xi32>
    %add3A_499 = arith.addi %add3A_489, %add3A_498 : vector<512x128xi32>
    %add3A_500 = vector.broadcast %get3A_1 : i32 to vector<512x128xi32>
    %add3A_501 = arith.addi %xor3A_497, %add3A_500 : vector<512x128xi32>
    %add3A_502 = arith.constant 5 : i32
    %add3A_503 = vector.broadcast %add3A_502 : i32 to vector<512x128xi32>
    %add3A_504 = arith.addi %add3A_501, %add3A_503 : vector<512x128xi32>
    %xor3A_505 = arith.xori %add3A_499, %add3A_504 : vector<512x128xi32>
    %shift_right_logical3A_506 = arith.constant 9 : i32
    %shift_right_logical3A_507 = vector.broadcast %shift_right_logical3A_506 : i32 to vector<512x128xi32>
    %shift_right_logical3A_508 = arith.shrui %xor3A_505, %shift_right_logical3A_507 : vector<512x128xi32>
    %ge3A_509 = arith.constant 1677722 : i32
    %ge3A_510 = vector.broadcast %ge3A_509 : i32 to vector<512x128xi32>
    %ge3A_511 = arith.cmpi sge, %shift_right_logical3A_508, %ge3A_510 : vector<512x128xi32>
    %get3A_512 = arith.constant 0 : index
    %get3A_513 = arith.constant 0 : index
    %get3A_514 = arith.constant 0 : index
    %get3A_515 = arith.constant 0 : index
    %get3A_516 = vector.load %arg8[%get3A_512, %get3A_513, %get3A_514, %get3A_515] : memref<1x1x512x128xf32, #tpu.memory_space<vmem>>, vector<1x1x512x128xf32>
    %get3A_517 = vector.shape_cast %get3A_516 : vector<1x1x512x128xf32> to vector<512x128xf32>
    %jit3A_518 = arith.constant 0.000000e+00 : f32
    %broadcast_in_dim3A_519 = vector.broadcast %jit3A_518 : f32 to vector<512x128xf32>
    %select_n3A_520 = arith.select %ge3A_511, %get3A_517, %broadcast_in_dim3A_519 : vector<512x128xi1>, vector<512x128xf32>
    %swap3A_521 = arith.constant 0 : index
    %swap3A_522 = arith.constant 1 : index
    %swap3A_523 = arith.constant 0 : index
    %swap3A_524 = arith.constant 0 : index
    %swap3A_525 = vector.load %arg11[%swap3A_521, %swap3A_522, %swap3A_523, %swap3A_524] : memref<1x4x512x128xf32, #tpu.memory_space<vmem>>, vector<1x1x512x128xf32>
    %swap3A_526 = vector.shape_cast %swap3A_525 : vector<1x1x512x128xf32> to vector<512x128xf32>
    %swap3A_527 = vector.shape_cast %select_n3A_520 : vector<512x128xf32> to vector<1x1x512x128xf32>
    tpu.vector_store %arg11[%swap3A_521, %swap3A_522, %swap3A_523, %swap3A_524], %swap3A_527 {strides = array<i32>} : memref<1x4x512x128xf32, #tpu.memory_space<vmem>>, vector<1x1x512x128xf32>,
    %get3A_528 = arith.index_cast %arg0 : i32 to index
    %get3A_529 = arith.index_cast %add3A_276 : i32 to index
    %get3A_530 = memref.load %arg2[%get3A_528, %get3A_529] : memref<4x100xi32, #tpu.memory_space<smem>>
    %get3A_531 = arith.index_cast %arg0 : i32 to index
    %get3A_532 = arith.index_cast %get3A_530 : i32 to index
    %get3A_533 = memref.load %arg6[%get3A_531, %get3A_532] : memref<4x50xi32, #tpu.memory_space<smem>>
    %get3A_534 = arith.index_cast %arg0 : i32 to index
    %get3A_535 = arith.index_cast %add3A_276 : i32 to index
    %get3A_536 = memref.load %arg4[%get3A_534, %get3A_535] : memref<4x100xi32, #tpu.memory_space<smem>>
    %ne3A_537 = arith.constant 0 : i32
    %ne3A_538 = arith.cmpi ne, %get3A_536, %ne3A_537 : i32
    %get3A_539 = arith.index_cast %arg0 : i32 to index
    %get3A_540 = arith.index_cast %add3A_276 : i32 to index
    %get3A_541 = memref.load %arg5[%get3A_539, %get3A_540] : memref<4x100xi32, #tpu.memory_space<smem>>
    %select_n3A_542 = arith.select %ne3A_538, %get3A_541, %get3A_533 : i32
    %swap3A_543 = arith.constant 0 : index
    %swap3A_544 = arith.constant 1 : index
    %swap3A_545 = arith.constant 0 : index
    %swap3A_546 = arith.constant 0 : index
    %swap3A_547 = memref.load %arg12[%swap3A_543, %swap3A_544, %swap3A_545, %swap3A_546] : memref<1x4x1x1xi32, #tpu.memory_space<smem>>
    memref.store %select_n3A_542, %arg12[%swap3A_543, %swap3A_544, %swap3A_545, %swap3A_546] : memref<1x4x1x1xi32, #tpu.memory_space<smem>>
    %mul3A_548 = arith.constant 4 : i32
    %mul3A_549 = arith.muli %arg1, %mul3A_548 : i32
    %add3A_550 = arith.constant 2 : i32
    %add3A_551 = arith.addi %mul3A_549, %add3A_550 : i32
    %mul3A_552 = arith.constant 65536 : i32
    %mul3A_553 = arith.muli %add3A_551, %mul3A_552 : i32
    %add3A_554 = vector.broadcast %mul3A_553 : i32 to vector<512x128xi32>
    %add3A_555 = arith.addi %add3A, %add3A_554 : vector<512x128xi32>
    %broadcast_in_dim3A_556 = arith.constant 0 : i32
    %broadcast_in_dim3A_557 = vector.broadcast %broadcast_in_dim3A_556 : i32 to vector<512x128xi32>
    %xor3A_558 = arith.xori %get3A_1, %get3A_4 : i32
    %xor3A_559 = arith.constant 466688986 : i32
    %xor3A_560 = arith.xori %xor3A_558, %xor3A_559 : i32
    %add3A_561 = vector.broadcast %get3A_1 : i32 to vector<512x128xi32>
    %add3A_562 = arith.addi %broadcast_in_dim3A_557, %add3A_561 : vector<512x128xi32>
    %add3A_563 = vector.broadcast %get3A_4 : i32 to vector<512x128xi32>
    %add3A_564 = arith.addi %add3A_555, %add3A_563 : vector<512x128xi32>
    %add3A_565 = arith.addi %add3A_562, %add3A_564 : vector<512x128xi32>
    %shift_left3A_566 = arith.constant 13 : i32
    %shift_left3A_567 = vector.broadcast %shift_left3A_566 : i32 to vector<512x128xi32>
    %shift_left3A_568 = arith.shli %add3A_564, %shift_left3A_567 : vector<512x128xi32>
    %shift_right_logical3A_569 = arith.constant 19 : i32
    %shift_right_logical3A_570 = vector.broadcast %shift_right_logical3A_569 : i32 to vector<512x128xi32>
    %shift_right_logical3A_571 = arith.shrui %add3A_564, %shift_right_logical3A_570 : vector<512x128xi32>
    %or3A_572 = arith.ori %shift_left3A_568, %shift_right_logical3A_571 : vector<512x128xi32>
    %xor3A_573 = arith.xori %add3A_565, %or3A_572 : vector<512x128xi32>
    %add3A_574 = arith.addi %add3A_565, %xor3A_573 : vector<512x128xi32>
    %shift_left3A_575 = arith.constant 15 : i32
    %shift_left3A_576 = vector.broadcast %shift_left3A_575 : i32 to vector<512x128xi32>
    %shift_left3A_577 = arith.shli %xor3A_573, %shift_left3A_576 : vector<512x128xi32>
    %shift_right_logical3A_578 = arith.constant 17 : i32
    %shift_right_logical3A_579 = vector.broadcast %shift_right_logical3A_578 : i32 to vector<512x128xi32>
    %shift_right_logical3A_580 = arith.shrui %xor3A_573, %shift_right_logical3A_579 : vector<512x128xi32>
    %or3A_581 = arith.ori %shift_left3A_577, %shift_right_logical3A_580 : vector<512x128xi32>
    %xor3A_582 = arith.xori %add3A_574, %or3A_581 : vector<512x128xi32>
    %add3A_583 = arith.addi %add3A_574, %xor3A_582 : vector<512x128xi32>
    %shift_left3A_584 = arith.constant 26 : i32
    %shift_left3A_585 = vector.broadcast %shift_left3A_584 : i32 to vector<512x128xi32>
    %shift_left3A_586 = arith.shli %xor3A_582, %shift_left3A_585 : vector<512x128xi32>
    %shift_right_logical3A_587 = arith.constant 6 : i32
    %shift_right_logical3A_588 = vector.broadcast %shift_right_logical3A_587 : i32 to vector<512x128xi32>
    %shift_right_logical3A_589 = arith.shrui %xor3A_582, %shift_right_logical3A_588 : vector<512x128xi32>
    %or3A_590 = arith.ori %shift_left3A_586, %shift_right_logical3A_589 : vector<512x128xi32>
    %xor3A_591 = arith.xori %add3A_583, %or3A_590 : vector<512x128xi32>
    %add3A_592 = arith.addi %add3A_583, %xor3A_591 : vector<512x128xi32>
    %shift_left3A_593 = arith.constant 6 : i32
    %shift_left3A_594 = vector.broadcast %shift_left3A_593 : i32 to vector<512x128xi32>
    %shift_left3A_595 = arith.shli %xor3A_591, %shift_left3A_594 : vector<512x128xi32>
    %shift_right_logical3A_596 = arith.constant 26 : i32
    %shift_right_logical3A_597 = vector.broadcast %shift_right_logical3A_596 : i32 to vector<512x128xi32>
    %shift_right_logical3A_598 = arith.shrui %xor3A_591, %shift_right_logical3A_597 : vector<512x128xi32>
    %or3A_599 = arith.ori %shift_left3A_595, %shift_right_logical3A_598 : vector<512x128xi32>
    %xor3A_600 = arith.xori %add3A_592, %or3A_599 : vector<512x128xi32>
    %add3A_601 = vector.broadcast %get3A_4 : i32 to vector<512x128xi32>
    %add3A_602 = arith.addi %add3A_592, %add3A_601 : vector<512x128xi32>
    %add3A_603 = vector.broadcast %xor3A_560 : i32 to vector<512x128xi32>
    %add3A_604 = arith.addi %xor3A_600, %add3A_603 : vector<512x128xi32>
    %add3A_605 = arith.constant 1 : i32
    %add3A_606 = vector.broadcast %add3A_605 : i32 to vector<512x128xi32>
    %add3A_607 = arith.addi %add3A_604, %add3A_606 : vector<512x128xi32>
    %add3A_608 = arith.addi %add3A_602, %add3A_607 : vector<512x128xi32>
    %shift_left3A_609 = arith.constant 17 : i32
    %shift_left3A_610 = vector.broadcast %shift_left3A_609 : i32 to vector<512x128xi32>
    %shift_left3A_611 = arith.shli %add3A_607, %shift_left3A_610 : vector<512x128xi32>
    %shift_right_logical3A_612 = arith.constant 15 : i32
    %shift_right_logical3A_613 = vector.broadcast %shift_right_logical3A_612 : i32 to vector<512x128xi32>
    %shift_right_logical3A_614 = arith.shrui %add3A_607, %shift_right_logical3A_613 : vector<512x128xi32>
    %or3A_615 = arith.ori %shift_left3A_611, %shift_right_logical3A_614 : vector<512x128xi32>
    %xor3A_616 = arith.xori %add3A_608, %or3A_615 : vector<512x128xi32>
    %add3A_617 = arith.addi %add3A_608, %xor3A_616 : vector<512x128xi32>
    %shift_left3A_618 = arith.constant 29 : i32
    %shift_left3A_619 = vector.broadcast %shift_left3A_618 : i32 to vector<512x128xi32>
    %shift_left3A_620 = arith.shli %xor3A_616, %shift_left3A_619 : vector<512x128xi32>
    %shift_right_logical3A_621 = arith.constant 3 : i32
    %shift_right_logical3A_622 = vector.broadcast %shift_right_logical3A_621 : i32 to vector<512x128xi32>
    %shift_right_logical3A_623 = arith.shrui %xor3A_616, %shift_right_logical3A_622 : vector<512x128xi32>
    %or3A_624 = arith.ori %shift_left3A_620, %shift_right_logical3A_623 : vector<512x128xi32>
    %xor3A_625 = arith.xori %add3A_617, %or3A_624 : vector<512x128xi32>
    %add3A_626 = arith.addi %add3A_617, %xor3A_625 : vector<512x128xi32>
    %shift_left3A_627 = arith.constant 16 : i32
    %shift_left3A_628 = vector.broadcast %shift_left3A_627 : i32 to vector<512x128xi32>
    %shift_left3A_629 = arith.shli %xor3A_625, %shift_left3A_628 : vector<512x128xi32>
    %shift_right_logical3A_630 = arith.constant 16 : i32
    %shift_right_logical3A_631 = vector.broadcast %shift_right_logical3A_630 : i32 to vector<512x128xi32>
    %shift_right_logical3A_632 = arith.shrui %xor3A_625, %shift_right_logical3A_631 : vector<512x128xi32>
    %or3A_633 = arith.ori %shift_left3A_629, %shift_right_logical3A_632 : vector<512x128xi32>
    %xor3A_634 = arith.xori %add3A_626, %or3A_633 : vector<512x128xi32>
    %add3A_635 = arith.addi %add3A_626, %xor3A_634 : vector<512x128xi32>
    %shift_left3A_636 = arith.constant 24 : i32
    %shift_left3A_637 = vector.broadcast %shift_left3A_636 : i32 to vector<512x128xi32>
    %shift_left3A_638 = arith.shli %xor3A_634, %shift_left3A_637 : vector<512x128xi32>
    %shift_right_logical3A_639 = arith.constant 8 : i32
    %shift_right_logical3A_640 = vector.broadcast %shift_right_logical3A_639 : i32 to vector<512x128xi32>
    %shift_right_logical3A_641 = arith.shrui %xor3A_634, %shift_right_logical3A_640 : vector<512x128xi32>
    %or3A_642 = arith.ori %shift_left3A_638, %shift_right_logical3A_641 : vector<512x128xi32>
    %xor3A_643 = arith.xori %add3A_635, %or3A_642 : vector<512x128xi32>
    %add3A_644 = vector.broadcast %xor3A_560 : i32 to vector<512x128xi32>
    %add3A_645 = arith.addi %add3A_635, %add3A_644 : vector<512x128xi32>
    %add3A_646 = vector.broadcast %get3A_1 : i32 to vector<512x128xi32>
    %add3A_647 = arith.addi %xor3A_643, %add3A_646 : vector<512x128xi32>
    %add3A_648 = arith.constant 2 : i32
    %add3A_649 = vector.broadcast %add3A_648 : i32 to vector<512x128xi32>
    %add3A_650 = arith.addi %add3A_647, %add3A_649 : vector<512x128xi32>
    %add3A_651 = arith.addi %add3A_645, %add3A_650 : vector<512x128xi32>
    %shift_left3A_652 = arith.constant 13 : i32
    %shift_left3A_653 = vector.broadcast %shift_left3A_652 : i32 to vector<512x128xi32>
    %shift_left3A_654 = arith.shli %add3A_650, %shift_left3A_653 : vector<512x128xi32>
    %shift_right_logical3A_655 = arith.constant 19 : i32
    %shift_right_logical3A_656 = vector.broadcast %shift_right_logical3A_655 : i32 to vector<512x128xi32>
    %shift_right_logical3A_657 = arith.shrui %add3A_650, %shift_right_logical3A_656 : vector<512x128xi32>
    %or3A_658 = arith.ori %shift_left3A_654, %shift_right_logical3A_657 : vector<512x128xi32>
    %xor3A_659 = arith.xori %add3A_651, %or3A_658 : vector<512x128xi32>
    %add3A_660 = arith.addi %add3A_651, %xor3A_659 : vector<512x128xi32>
    %shift_left3A_661 = arith.constant 15 : i32
    %shift_left3A_662 = vector.broadcast %shift_left3A_661 : i32 to vector<512x128xi32>
    %shift_left3A_663 = arith.shli %xor3A_659, %shift_left3A_662 : vector<512x128xi32>
    %shift_right_logical3A_664 = arith.constant 17 : i32
    %shift_right_logical3A_665 = vector.broadcast %shift_right_logical3A_664 : i32 to vector<512x128xi32>
    %shift_right_logical3A_666 = arith.shrui %xor3A_659, %shift_right_logical3A_665 : vector<512x128xi32>
    %or3A_667 = arith.ori %shift_left3A_663, %shift_right_logical3A_666 : vector<512x128xi32>
    %xor3A_668 = arith.xori %add3A_660, %or3A_667 : vector<512x128xi32>
    %add3A_669 = arith.addi %add3A_660, %xor3A_668 : vector<512x128xi32>
    %shift_left3A_670 = arith.constant 26 : i32
    %shift_left3A_671 = vector.broadcast %shift_left3A_670 : i32 to vector<512x128xi32>
    %shift_left3A_672 = arith.shli %xor3A_668, %shift_left3A_671 : vector<512x128xi32>
    %shift_right_logical3A_673 = arith.constant 6 : i32
    %shift_right_logical3A_674 = vector.broadcast %shift_right_logical3A_673 : i32 to vector<512x128xi32>
    %shift_right_logical3A_675 = arith.shrui %xor3A_668, %shift_right_logical3A_674 : vector<512x128xi32>
    %or3A_676 = arith.ori %shift_left3A_672, %shift_right_logical3A_675 : vector<512x128xi32>
    %xor3A_677 = arith.xori %add3A_669, %or3A_676 : vector<512x128xi32>
    %add3A_678 = arith.addi %add3A_669, %xor3A_677 : vector<512x128xi32>
    %shift_left3A_679 = arith.constant 6 : i32
    %shift_left3A_680 = vector.broadcast %shift_left3A_679 : i32 to vector<512x128xi32>
    %shift_left3A_681 = arith.shli %xor3A_677, %shift_left3A_680 : vector<512x128xi32>
    %shift_right_logical3A_682 = arith.constant 26 : i32
    %shift_right_logical3A_683 = vector.broadcast %shift_right_logical3A_682 : i32 to vector<512x128xi32>
    %shift_right_logical3A_684 = arith.shrui %xor3A_677, %shift_right_logical3A_683 : vector<512x128xi32>
    %or3A_685 = arith.ori %shift_left3A_681, %shift_right_logical3A_684 : vector<512x128xi32>
    %xor3A_686 = arith.xori %add3A_678, %or3A_685 : vector<512x128xi32>
    %add3A_687 = vector.broadcast %get3A_1 : i32 to vector<512x128xi32>
    %add3A_688 = arith.addi %add3A_678, %add3A_687 : vector<512x128xi32>
    %add3A_689 = vector.broadcast %get3A_4 : i32 to vector<512x128xi32>
    %add3A_690 = arith.addi %xor3A_686, %add3A_689 : vector<512x128xi32>
    %add3A_691 = arith.constant 3 : i32
    %add3A_692 = vector.broadcast %add3A_691 : i32 to vector<512x128xi32>
    %add3A_693 = arith.addi %add3A_690, %add3A_692 : vector<512x128xi32>
    %add3A_694 = arith.addi %add3A_688, %add3A_693 : vector<512x128xi32>
    %shift_left3A_695 = arith.constant 17 : i32
    %shift_left3A_696 = vector.broadcast %shift_left3A_695 : i32 to vector<512x128xi32>
    %shift_left3A_697 = arith.shli %add3A_693, %shift_left3A_696 : vector<512x128xi32>
    %shift_right_logical3A_698 = arith.constant 15 : i32
    %shift_right_logical3A_699 = vector.broadcast %shift_right_logical3A_698 : i32 to vector<512x128xi32>
    %shift_right_logical3A_700 = arith.shrui %add3A_693, %shift_right_logical3A_699 : vector<512x128xi32>
    %or3A_701 = arith.ori %shift_left3A_697, %shift_right_logical3A_700 : vector<512x128xi32>
    %xor3A_702 = arith.xori %add3A_694, %or3A_701 : vector<512x128xi32>
    %add3A_703 = arith.addi %add3A_694, %xor3A_702 : vector<512x128xi32>
    %shift_left3A_704 = arith.constant 29 : i32
    %shift_left3A_705 = vector.broadcast %shift_left3A_704 : i32 to vector<512x128xi32>
    %shift_left3A_706 = arith.shli %xor3A_702, %shift_left3A_705 : vector<512x128xi32>
    %shift_right_logical3A_707 = arith.constant 3 : i32
    %shift_right_logical3A_708 = vector.broadcast %shift_right_logical3A_707 : i32 to vector<512x128xi32>
    %shift_right_logical3A_709 = arith.shrui %xor3A_702, %shift_right_logical3A_708 : vector<512x128xi32>
    %or3A_710 = arith.ori %shift_left3A_706, %shift_right_logical3A_709 : vector<512x128xi32>
    %xor3A_711 = arith.xori %add3A_703, %or3A_710 : vector<512x128xi32>
    %add3A_712 = arith.addi %add3A_703, %xor3A_711 : vector<512x128xi32>
    %shift_left3A_713 = arith.constant 16 : i32
    %shift_left3A_714 = vector.broadcast %shift_left3A_713 : i32 to vector<512x128xi32>
    %shift_left3A_715 = arith.shli %xor3A_711, %shift_left3A_714 : vector<512x128xi32>
    %shift_right_logical3A_716 = arith.constant 16 : i32
    %shift_right_logical3A_717 = vector.broadcast %shift_right_logical3A_716 : i32 to vector<512x128xi32>
    %shift_right_logical3A_718 = arith.shrui %xor3A_711, %shift_right_logical3A_717 : vector<512x128xi32>
    %or3A_719 = arith.ori %shift_left3A_715, %shift_right_logical3A_718 : vector<512x128xi32>
    %xor3A_720 = arith.xori %add3A_712, %or3A_719 : vector<512x128xi32>
    %add3A_721 = arith.addi %add3A_712, %xor3A_720 : vector<512x128xi32>
    %shift_left3A_722 = arith.constant 24 : i32
    %shift_left3A_723 = vector.broadcast %shift_left3A_722 : i32 to vector<512x128xi32>
    %shift_left3A_724 = arith.shli %xor3A_720, %shift_left3A_723 : vector<512x128xi32>
    %shift_right_logical3A_725 = arith.constant 8 : i32
    %shift_right_logical3A_726 = vector.broadcast %shift_right_logical3A_725 : i32 to vector<512x128xi32>
    %shift_right_logical3A_727 = arith.shrui %xor3A_720, %shift_right_logical3A_726 : vector<512x128xi32>
    %or3A_728 = arith.ori %shift_left3A_724, %shift_right_logical3A_727 : vector<512x128xi32>
    %xor3A_729 = arith.xori %add3A_721, %or3A_728 : vector<512x128xi32>
    %add3A_730 = vector.broadcast %get3A_4 : i32 to vector<512x128xi32>
    %add3A_731 = arith.addi %add3A_721, %add3A_730 : vector<512x128xi32>
    %add3A_732 = vector.broadcast %xor3A_560 : i32 to vector<512x128xi32>
    %add3A_733 = arith.addi %xor3A_729, %add3A_732 : vector<512x128xi32>
    %add3A_734 = arith.constant 4 : i32
    %add3A_735 = vector.broadcast %add3A_734 : i32 to vector<512x128xi32>
    %add3A_736 = arith.addi %add3A_733, %add3A_735 : vector<512x128xi32>
    %add3A_737 = arith.addi %add3A_731, %add3A_736 : vector<512x128xi32>
    %shift_left3A_738 = arith.constant 13 : i32
    %shift_left3A_739 = vector.broadcast %shift_left3A_738 : i32 to vector<512x128xi32>
    %shift_left3A_740 = arith.shli %add3A_736, %shift_left3A_739 : vector<512x128xi32>
    %shift_right_logical3A_741 = arith.constant 19 : i32
    %shift_right_logical3A_742 = vector.broadcast %shift_right_logical3A_741 : i32 to vector<512x128xi32>
    %shift_right_logical3A_743 = arith.shrui %add3A_736, %shift_right_logical3A_742 : vector<512x128xi32>
    %or3A_744 = arith.ori %shift_left3A_740, %shift_right_logical3A_743 : vector<512x128xi32>
    %xor3A_745 = arith.xori %add3A_737, %or3A_744 : vector<512x128xi32>
    %add3A_746 = arith.addi %add3A_737, %xor3A_745 : vector<512x128xi32>
    %shift_left3A_747 = arith.constant 15 : i32
    %shift_left3A_748 = vector.broadcast %shift_left3A_747 : i32 to vector<512x128xi32>
    %shift_left3A_749 = arith.shli %xor3A_745, %shift_left3A_748 : vector<512x128xi32>
    %shift_right_logical3A_750 = arith.constant 17 : i32
    %shift_right_logical3A_751 = vector.broadcast %shift_right_logical3A_750 : i32 to vector<512x128xi32>
    %shift_right_logical3A_752 = arith.shrui %xor3A_745, %shift_right_logical3A_751 : vector<512x128xi32>
    %or3A_753 = arith.ori %shift_left3A_749, %shift_right_logical3A_752 : vector<512x128xi32>
    %xor3A_754 = arith.xori %add3A_746, %or3A_753 : vector<512x128xi32>
    %add3A_755 = arith.addi %add3A_746, %xor3A_754 : vector<512x128xi32>
    %shift_left3A_756 = arith.constant 26 : i32
    %shift_left3A_757 = vector.broadcast %shift_left3A_756 : i32 to vector<512x128xi32>
    %shift_left3A_758 = arith.shli %xor3A_754, %shift_left3A_757 : vector<512x128xi32>
    %shift_right_logical3A_759 = arith.constant 6 : i32
    %shift_right_logical3A_760 = vector.broadcast %shift_right_logical3A_759 : i32 to vector<512x128xi32>
    %shift_right_logical3A_761 = arith.shrui %xor3A_754, %shift_right_logical3A_760 : vector<512x128xi32>
    %or3A_762 = arith.ori %shift_left3A_758, %shift_right_logical3A_761 : vector<512x128xi32>
    %xor3A_763 = arith.xori %add3A_755, %or3A_762 : vector<512x128xi32>
    %add3A_764 = arith.addi %add3A_755, %xor3A_763 : vector<512x128xi32>
    %shift_left3A_765 = arith.constant 6 : i32
    %shift_left3A_766 = vector.broadcast %shift_left3A_765 : i32 to vector<512x128xi32>
    %shift_left3A_767 = arith.shli %xor3A_763, %shift_left3A_766 : vector<512x128xi32>
    %shift_right_logical3A_768 = arith.constant 26 : i32
    %shift_right_logical3A_769 = vector.broadcast %shift_right_logical3A_768 : i32 to vector<512x128xi32>
    %shift_right_logical3A_770 = arith.shrui %xor3A_763, %shift_right_logical3A_769 : vector<512x128xi32>
    %or3A_771 = arith.ori %shift_left3A_767, %shift_right_logical3A_770 : vector<512x128xi32>
    %xor3A_772 = arith.xori %add3A_764, %or3A_771 : vector<512x128xi32>
    %add3A_773 = vector.broadcast %xor3A_560 : i32 to vector<512x128xi32>
    %add3A_774 = arith.addi %add3A_764, %add3A_773 : vector<512x128xi32>
    %add3A_775 = vector.broadcast %get3A_1 : i32 to vector<512x128xi32>
    %add3A_776 = arith.addi %xor3A_772, %add3A_775 : vector<512x128xi32>
    %add3A_777 = arith.constant 5 : i32
    %add3A_778 = vector.broadcast %add3A_777 : i32 to vector<512x128xi32>
    %add3A_779 = arith.addi %add3A_776, %add3A_778 : vector<512x128xi32>
    %xor3A_780 = arith.xori %add3A_774, %add3A_779 : vector<512x128xi32>
    %shift_right_logical3A_781 = arith.constant 9 : i32
    %shift_right_logical3A_782 = vector.broadcast %shift_right_logical3A_781 : i32 to vector<512x128xi32>
    %shift_right_logical3A_783 = arith.shrui %xor3A_780, %shift_right_logical3A_782 : vector<512x128xi32>
    %ge3A_784 = arith.constant 1677722 : i32
    %ge3A_785 = vector.broadcast %ge3A_784 : i32 to vector<512x128xi32>
    %ge3A_786 = arith.cmpi sge, %shift_right_logical3A_783, %ge3A_785 : vector<512x128xi32>
    %get3A_787 = arith.constant 0 : index
    %get3A_788 = arith.constant 0 : index
    %get3A_789 = arith.constant 0 : index
    %get3A_790 = arith.constant 0 : index
    %get3A_791 = vector.load %arg9[%get3A_787, %get3A_788, %get3A_789, %get3A_790] : memref<1x1x512x128xf32, #tpu.memory_space<vmem>>, vector<1x1x512x128xf32>
    %get3A_792 = vector.shape_cast %get3A_791 : vector<1x1x512x128xf32> to vector<512x128xf32>
    %jit3A_793 = arith.constant 0.000000e+00 : f32
    %broadcast_in_dim3A_794 = vector.broadcast %jit3A_793 : f32 to vector<512x128xf32>
    %select_n3A_795 = arith.select %ge3A_786, %get3A_792, %broadcast_in_dim3A_794 : vector<512x128xi1>, vector<512x128xf32>
    %swap3A_796 = arith.constant 0 : index
    %swap3A_797 = arith.constant 2 : index
    %swap3A_798 = arith.constant 0 : index
    %swap3A_799 = arith.constant 0 : index
    %swap3A_800 = vector.load %arg11[%swap3A_796, %swap3A_797, %swap3A_798, %swap3A_799] : memref<1x4x512x128xf32, #tpu.memory_space<vmem>>, vector<1x1x512x128xf32>
    %swap3A_801 = vector.shape_cast %swap3A_800 : vector<1x1x512x128xf32> to vector<512x128xf32>
    %swap3A_802 = vector.shape_cast %select_n3A_795 : vector<512x128xf32> to vector<1x1x512x128xf32>
    tpu.vector_store %arg11[%swap3A_796, %swap3A_797, %swap3A_798, %swap3A_799], %swap3A_802 {strides = array<i32>} : memref<1x4x512x128xf32, #tpu.memory_space<vmem>>, vector<1x1x512x128xf32>,
    %get3A_803 = arith.index_cast %arg0 : i32 to index
    %get3A_804 = arith.index_cast %add3A_551 : i32 to index
    %get3A_805 = memref.load %arg2[%get3A_803, %get3A_804] : memref<4x100xi32, #tpu.memory_space<smem>>
    %get3A_806 = arith.index_cast %arg0 : i32 to index
    %get3A_807 = arith.index_cast %get3A_805 : i32 to index
    %get3A_808 = memref.load %arg6[%get3A_806, %get3A_807] : memref<4x50xi32, #tpu.memory_space<smem>>
    %get3A_809 = arith.index_cast %arg0 : i32 to index
    %get3A_810 = arith.index_cast %add3A_551 : i32 to index
    %get3A_811 = memref.load %arg4[%get3A_809, %get3A_810] : memref<4x100xi32, #tpu.memory_space<smem>>
    %ne3A_812 = arith.constant 0 : i32
    %ne3A_813 = arith.cmpi ne, %get3A_811, %ne3A_812 : i32
    %get3A_814 = arith.index_cast %arg0 : i32 to index
    %get3A_815 = arith.index_cast %add3A_551 : i32 to index
    %get3A_816 = memref.load %arg5[%get3A_814, %get3A_815] : memref<4x100xi32, #tpu.memory_space<smem>>
    %select_n3A_817 = arith.select %ne3A_813, %get3A_816, %get3A_808 : i32
    %swap3A_818 = arith.constant 0 : index
    %swap3A_819 = arith.constant 2 : index
    %swap3A_820 = arith.constant 0 : index
    %swap3A_821 = arith.constant 0 : index
    %swap3A_822 = memref.load %arg12[%swap3A_818, %swap3A_819, %swap3A_820, %swap3A_821] : memref<1x4x1x1xi32, #tpu.memory_space<smem>>
    memref.store %select_n3A_817, %arg12[%swap3A_818, %swap3A_819, %swap3A_820, %swap3A_821] : memref<1x4x1x1xi32, #tpu.memory_space<smem>>
    %mul3A_823 = arith.constant 4 : i32
    %mul3A_824 = arith.muli %arg1, %mul3A_823 : i32
    %add3A_825 = arith.constant 3 : i32
    %add3A_826 = arith.addi %mul3A_824, %add3A_825 : i32
    %mul3A_827 = arith.constant 65536 : i32
    %mul3A_828 = arith.muli %add3A_826, %mul3A_827 : i32
    %add3A_829 = vector.broadcast %mul3A_828 : i32 to vector<512x128xi32>
    %add3A_830 = arith.addi %add3A, %add3A_829 : vector<512x128xi32>
    %broadcast_in_dim3A_831 = arith.constant 0 : i32
    %broadcast_in_dim3A_832 = vector.broadcast %broadcast_in_dim3A_831 : i32 to vector<512x128xi32>
    %xor3A_833 = arith.xori %get3A_1, %get3A_4 : i32
    %xor3A_834 = arith.constant 466688986 : i32
    %xor3A_835 = arith.xori %xor3A_833, %xor3A_834 : i32
    %add3A_836 = vector.broadcast %get3A_1 : i32 to vector<512x128xi32>
    %add3A_837 = arith.addi %broadcast_in_dim3A_832, %add3A_836 : vector<512x128xi32>
    %add3A_838 = vector.broadcast %get3A_4 : i32 to vector<512x128xi32>
    %add3A_839 = arith.addi %add3A_830, %add3A_838 : vector<512x128xi32>
    %add3A_840 = arith.addi %add3A_837, %add3A_839 : vector<512x128xi32>
    %shift_left3A_841 = arith.constant 13 : i32
    %shift_left3A_842 = vector.broadcast %shift_left3A_841 : i32 to vector<512x128xi32>
    %shift_left3A_843 = arith.shli %add3A_839, %shift_left3A_842 : vector<512x128xi32>
    %shift_right_logical3A_844 = arith.constant 19 : i32
    %shift_right_logical3A_845 = vector.broadcast %shift_right_logical3A_844 : i32 to vector<512x128xi32>
    %shift_right_logical3A_846 = arith.shrui %add3A_839, %shift_right_logical3A_845 : vector<512x128xi32>
    %or3A_847 = arith.ori %shift_left3A_843, %shift_right_logical3A_846 : vector<512x128xi32>
    %xor3A_848 = arith.xori %add3A_840, %or3A_847 : vector<512x128xi32>
    %add3A_849 = arith.addi %add3A_840, %xor3A_848 : vector<512x128xi32>
    %shift_left3A_850 = arith.constant 15 : i32
    %shift_left3A_851 = vector.broadcast %shift_left3A_850 : i32 to vector<512x128xi32>
    %shift_left3A_852 = arith.shli %xor3A_848, %shift_left3A_851 : vector<512x128xi32>
    %shift_right_logical3A_853 = arith.constant 17 : i32
    %shift_right_logical3A_854 = vector.broadcast %shift_right_logical3A_853 : i32 to vector<512x128xi32>
    %shift_right_logical3A_855 = arith.shrui %xor3A_848, %shift_right_logical3A_854 : vector<512x128xi32>
    %or3A_856 = arith.ori %shift_left3A_852, %shift_right_logical3A_855 : vector<512x128xi32>
    %xor3A_857 = arith.xori %add3A_849, %or3A_856 : vector<512x128xi32>
    %add3A_858 = arith.addi %add3A_849, %xor3A_857 : vector<512x128xi32>
    %shift_left3A_859 = arith.constant 26 : i32
    %shift_left3A_860 = vector.broadcast %shift_left3A_859 : i32 to vector<512x128xi32>
    %shift_left3A_861 = arith.shli %xor3A_857, %shift_left3A_860 : vector<512x128xi32>
    %shift_right_logical3A_862 = arith.constant 6 : i32
    %shift_right_logical3A_863 = vector.broadcast %shift_right_logical3A_862 : i32 to vector<512x128xi32>
    %shift_right_logical3A_864 = arith.shrui %xor3A_857, %shift_right_logical3A_863 : vector<512x128xi32>
    %or3A_865 = arith.ori %shift_left3A_861, %shift_right_logical3A_864 : vector<512x128xi32>
    %xor3A_866 = arith.xori %add3A_858, %or3A_865 : vector<512x128xi32>
    %add3A_867 = arith.addi %add3A_858, %xor3A_866 : vector<512x128xi32>
    %shift_left3A_868 = arith.constant 6 : i32
    %shift_left3A_869 = vector.broadcast %shift_left3A_868 : i32 to vector<512x128xi32>
    %shift_left3A_870 = arith.shli %xor3A_866, %shift_left3A_869 : vector<512x128xi32>
    %shift_right_logical3A_871 = arith.constant 26 : i32
    %shift_right_logical3A_872 = vector.broadcast %shift_right_logical3A_871 : i32 to vector<512x128xi32>
    %shift_right_logical3A_873 = arith.shrui %xor3A_866, %shift_right_logical3A_872 : vector<512x128xi32>
    %or3A_874 = arith.ori %shift_left3A_870, %shift_right_logical3A_873 : vector<512x128xi32>
    %xor3A_875 = arith.xori %add3A_867, %or3A_874 : vector<512x128xi32>
    %add3A_876 = vector.broadcast %get3A_4 : i32 to vector<512x128xi32>
    %add3A_877 = arith.addi %add3A_867, %add3A_876 : vector<512x128xi32>
    %add3A_878 = vector.broadcast %xor3A_835 : i32 to vector<512x128xi32>
    %add3A_879 = arith.addi %xor3A_875, %add3A_878 : vector<512x128xi32>
    %add3A_880 = arith.constant 1 : i32
    %add3A_881 = vector.broadcast %add3A_880 : i32 to vector<512x128xi32>
    %add3A_882 = arith.addi %add3A_879, %add3A_881 : vector<512x128xi32>
    %add3A_883 = arith.addi %add3A_877, %add3A_882 : vector<512x128xi32>
    %shift_left3A_884 = arith.constant 17 : i32
    %shift_left3A_885 = vector.broadcast %shift_left3A_884 : i32 to vector<512x128xi32>
    %shift_left3A_886 = arith.shli %add3A_882, %shift_left3A_885 : vector<512x128xi32>
    %shift_right_logical3A_887 = arith.constant 15 : i32
    %shift_right_logical3A_888 = vector.broadcast %shift_right_logical3A_887 : i32 to vector<512x128xi32>
    %shift_right_logical3A_889 = arith.shrui %add3A_882, %shift_right_logical3A_888 : vector<512x128xi32>
    %or3A_890 = arith.ori %shift_left3A_886, %shift_right_logical3A_889 : vector<512x128xi32>
    %xor3A_891 = arith.xori %add3A_883, %or3A_890 : vector<512x128xi32>
    %add3A_892 = arith.addi %add3A_883, %xor3A_891 : vector<512x128xi32>
    %shift_left3A_893 = arith.constant 29 : i32
    %shift_left3A_894 = vector.broadcast %shift_left3A_893 : i32 to vector<512x128xi32>
    %shift_left3A_895 = arith.shli %xor3A_891, %shift_left3A_894 : vector<512x128xi32>
    %shift_right_logical3A_896 = arith.constant 3 : i32
    %shift_right_logical3A_897 = vector.broadcast %shift_right_logical3A_896 : i32 to vector<512x128xi32>
    %shift_right_logical3A_898 = arith.shrui %xor3A_891, %shift_right_logical3A_897 : vector<512x128xi32>
    %or3A_899 = arith.ori %shift_left3A_895, %shift_right_logical3A_898 : vector<512x128xi32>
    %xor3A_900 = arith.xori %add3A_892, %or3A_899 : vector<512x128xi32>
    %add3A_901 = arith.addi %add3A_892, %xor3A_900 : vector<512x128xi32>
    %shift_left3A_902 = arith.constant 16 : i32
    %shift_left3A_903 = vector.broadcast %shift_left3A_902 : i32 to vector<512x128xi32>
    %shift_left3A_904 = arith.shli %xor3A_900, %shift_left3A_903 : vector<512x128xi32>
    %shift_right_logical3A_905 = arith.constant 16 : i32
    %shift_right_logical3A_906 = vector.broadcast %shift_right_logical3A_905 : i32 to vector<512x128xi32>
    %shift_right_logical3A_907 = arith.shrui %xor3A_900, %shift_right_logical3A_906 : vector<512x128xi32>
    %or3A_908 = arith.ori %shift_left3A_904, %shift_right_logical3A_907 : vector<512x128xi32>
    %xor3A_909 = arith.xori %add3A_901, %or3A_908 : vector<512x128xi32>
    %add3A_910 = arith.addi %add3A_901, %xor3A_909 : vector<512x128xi32>
    %shift_left3A_911 = arith.constant 24 : i32
    %shift_left3A_912 = vector.broadcast %shift_left3A_911 : i32 to vector<512x128xi32>
    %shift_left3A_913 = arith.shli %xor3A_909, %shift_left3A_912 : vector<512x128xi32>
    %shift_right_logical3A_914 = arith.constant 8 : i32
    %shift_right_logical3A_915 = vector.broadcast %shift_right_logical3A_914 : i32 to vector<512x128xi32>
    %shift_right_logical3A_916 = arith.shrui %xor3A_909, %shift_right_logical3A_915 : vector<512x128xi32>
    %or3A_917 = arith.ori %shift_left3A_913, %shift_right_logical3A_916 : vector<512x128xi32>
    %xor3A_918 = arith.xori %add3A_910, %or3A_917 : vector<512x128xi32>
    %add3A_919 = vector.broadcast %xor3A_835 : i32 to vector<512x128xi32>
    %add3A_920 = arith.addi %add3A_910, %add3A_919 : vector<512x128xi32>
    %add3A_921 = vector.broadcast %get3A_1 : i32 to vector<512x128xi32>
    %add3A_922 = arith.addi %xor3A_918, %add3A_921 : vector<512x128xi32>
    %add3A_923 = arith.constant 2 : i32
    %add3A_924 = vector.broadcast %add3A_923 : i32 to vector<512x128xi32>
    %add3A_925 = arith.addi %add3A_922, %add3A_924 : vector<512x128xi32>
    %add3A_926 = arith.addi %add3A_920, %add3A_925 : vector<512x128xi32>
    %shift_left3A_927 = arith.constant 13 : i32
    %shift_left3A_928 = vector.broadcast %shift_left3A_927 : i32 to vector<512x128xi32>
    %shift_left3A_929 = arith.shli %add3A_925, %shift_left3A_928 : vector<512x128xi32>
    %shift_right_logical3A_930 = arith.constant 19 : i32
    %shift_right_logical3A_931 = vector.broadcast %shift_right_logical3A_930 : i32 to vector<512x128xi32>
    %shift_right_logical3A_932 = arith.shrui %add3A_925, %shift_right_logical3A_931 : vector<512x128xi32>
    %or3A_933 = arith.ori %shift_left3A_929, %shift_right_logical3A_932 : vector<512x128xi32>
    %xor3A_934 = arith.xori %add3A_926, %or3A_933 : vector<512x128xi32>
    %add3A_935 = arith.addi %add3A_926, %xor3A_934 : vector<512x128xi32>
    %shift_left3A_936 = arith.constant 15 : i32
    %shift_left3A_937 = vector.broadcast %shift_left3A_936 : i32 to vector<512x128xi32>
    %shift_left3A_938 = arith.shli %xor3A_934, %shift_left3A_937 : vector<512x128xi32>
    %shift_right_logical3A_939 = arith.constant 17 : i32
    %shift_right_logical3A_940 = vector.broadcast %shift_right_logical3A_939 : i32 to vector<512x128xi32>
    %shift_right_logical3A_941 = arith.shrui %xor3A_934, %shift_right_logical3A_940 : vector<512x128xi32>
    %or3A_942 = arith.ori %shift_left3A_938, %shift_right_logical3A_941 : vector<512x128xi32>
    %xor3A_943 = arith.xori %add3A_935, %or3A_942 : vector<512x128xi32>
    %add3A_944 = arith.addi %add3A_935, %xor3A_943 : vector<512x128xi32>
    %shift_left3A_945 = arith.constant 26 : i32
    %shift_left3A_946 = vector.broadcast %shift_left3A_945 : i32 to vector<512x128xi32>
    %shift_left3A_947 = arith.shli %xor3A_943, %shift_left3A_946 : vector<512x128xi32>
    %shift_right_logical3A_948 = arith.constant 6 : i32
    %shift_right_logical3A_949 = vector.broadcast %shift_right_logical3A_948 : i32 to vector<512x128xi32>
    %shift_right_logical3A_950 = arith.shrui %xor3A_943, %shift_right_logical3A_949 : vector<512x128xi32>
    %or3A_951 = arith.ori %shift_left3A_947, %shift_right_logical3A_950 : vector<512x128xi32>
    %xor3A_952 = arith.xori %add3A_944, %or3A_951 : vector<512x128xi32>
    %add3A_953 = arith.addi %add3A_944, %xor3A_952 : vector<512x128xi32>
    %shift_left3A_954 = arith.constant 6 : i32
    %shift_left3A_955 = vector.broadcast %shift_left3A_954 : i32 to vector<512x128xi32>
    %shift_left3A_956 = arith.shli %xor3A_952, %shift_left3A_955 : vector<512x128xi32>
    %shift_right_logical3A_957 = arith.constant 26 : i32
    %shift_right_logical3A_958 = vector.broadcast %shift_right_logical3A_957 : i32 to vector<512x128xi32>
    %shift_right_logical3A_959 = arith.shrui %xor3A_952, %shift_right_logical3A_958 : vector<512x128xi32>
    %or3A_960 = arith.ori %shift_left3A_956, %shift_right_logical3A_959 : vector<512x128xi32>
    %xor3A_961 = arith.xori %add3A_953, %or3A_960 : vector<512x128xi32>
    %add3A_962 = vector.broadcast %get3A_1 : i32 to vector<512x128xi32>
    %add3A_963 = arith.addi %add3A_953, %add3A_962 : vector<512x128xi32>
    %add3A_964 = vector.broadcast %get3A_4 : i32 to vector<512x128xi32>
    %add3A_965 = arith.addi %xor3A_961, %add3A_964 : vector<512x128xi32>
    %add3A_966 = arith.constant 3 : i32
    %add3A_967 = vector.broadcast %add3A_966 : i32 to vector<512x128xi32>
    %add3A_968 = arith.addi %add3A_965, %add3A_967 : vector<512x128xi32>
    %add3A_969 = arith.addi %add3A_963, %add3A_968 : vector<512x128xi32>
    %shift_left3A_970 = arith.constant 17 : i32
    %shift_left3A_971 = vector.broadcast %shift_left3A_970 : i32 to vector<512x128xi32>
    %shift_left3A_972 = arith.shli %add3A_968, %shift_left3A_971 : vector<512x128xi32>
    %shift_right_logical3A_973 = arith.constant 15 : i32
    %shift_right_logical3A_974 = vector.broadcast %shift_right_logical3A_973 : i32 to vector<512x128xi32>
    %shift_right_logical3A_975 = arith.shrui %add3A_968, %shift_right_logical3A_974 : vector<512x128xi32>
    %or3A_976 = arith.ori %shift_left3A_972, %shift_right_logical3A_975 : vector<512x128xi32>
    %xor3A_977 = arith.xori %add3A_969, %or3A_976 : vector<512x128xi32>
    %add3A_978 = arith.addi %add3A_969, %xor3A_977 : vector<512x128xi32>
    %shift_left3A_979 = arith.constant 29 : i32
    %shift_left3A_980 = vector.broadcast %shift_left3A_979 : i32 to vector<512x128xi32>
    %shift_left3A_981 = arith.shli %xor3A_977, %shift_left3A_980 : vector<512x128xi32>
    %shift_right_logical3A_982 = arith.constant 3 : i32
    %shift_right_logical3A_983 = vector.broadcast %shift_right_logical3A_982 : i32 to vector<512x128xi32>
    %shift_right_logical3A_984 = arith.shrui %xor3A_977, %shift_right_logical3A_983 : vector<512x128xi32>
    %or3A_985 = arith.ori %shift_left3A_981, %shift_right_logical3A_984 : vector<512x128xi32>
    %xor3A_986 = arith.xori %add3A_978, %or3A_985 : vector<512x128xi32>
    %add3A_987 = arith.addi %add3A_978, %xor3A_986 : vector<512x128xi32>
    %shift_left3A_988 = arith.constant 16 : i32
    %shift_left3A_989 = vector.broadcast %shift_left3A_988 : i32 to vector<512x128xi32>
    %shift_left3A_990 = arith.shli %xor3A_986, %shift_left3A_989 : vector<512x128xi32>
    %shift_right_logical3A_991 = arith.constant 16 : i32
    %shift_right_logical3A_992 = vector.broadcast %shift_right_logical3A_991 : i32 to vector<512x128xi32>
    %shift_right_logical3A_993 = arith.shrui %xor3A_986, %shift_right_logical3A_992 : vector<512x128xi32>
    %or3A_994 = arith.ori %shift_left3A_990, %shift_right_logical3A_993 : vector<512x128xi32>
    %xor3A_995 = arith.xori %add3A_987, %or3A_994 : vector<512x128xi32>
    %add3A_996 = arith.addi %add3A_987, %xor3A_995 : vector<512x128xi32>
    %shift_left3A_997 = arith.constant 24 : i32
    %shift_left3A_998 = vector.broadcast %shift_left3A_997 : i32 to vector<512x128xi32>
    %shift_left3A_999 = arith.shli %xor3A_995, %shift_left3A_998 : vector<512x128xi32>
    %shift_right_logical3A_1000 = arith.constant 8 : i32
    %shift_right_logical3A_1001 = vector.broadcast %shift_right_logical3A_1000 : i32 to vector<512x128xi32>
    %shift_right_logical3A_1002 = arith.shrui %xor3A_995, %shift_right_logical3A_1001 : vector<512x128xi32>
    %or3A_1003 = arith.ori %shift_left3A_999, %shift_right_logical3A_1002 : vector<512x128xi32>
    %xor3A_1004 = arith.xori %add3A_996, %or3A_1003 : vector<512x128xi32>
    %add3A_1005 = vector.broadcast %get3A_4 : i32 to vector<512x128xi32>
    %add3A_1006 = arith.addi %add3A_996, %add3A_1005 : vector<512x128xi32>
    %add3A_1007 = vector.broadcast %xor3A_835 : i32 to vector<512x128xi32>
    %add3A_1008 = arith.addi %xor3A_1004, %add3A_1007 : vector<512x128xi32>
    %add3A_1009 = arith.constant 4 : i32
    %add3A_1010 = vector.broadcast %add3A_1009 : i32 to vector<512x128xi32>
    %add3A_1011 = arith.addi %add3A_1008, %add3A_1010 : vector<512x128xi32>
    %add3A_1012 = arith.addi %add3A_1006, %add3A_1011 : vector<512x128xi32>
    %shift_left3A_1013 = arith.constant 13 : i32
    %shift_left3A_1014 = vector.broadcast %shift_left3A_1013 : i32 to vector<512x128xi32>
    %shift_left3A_1015 = arith.shli %add3A_1011, %shift_left3A_1014 : vector<512x128xi32>
    %shift_right_logical3A_1016 = arith.constant 19 : i32
    %shift_right_logical3A_1017 = vector.broadcast %shift_right_logical3A_1016 : i32 to vector<512x128xi32>
    %shift_right_logical3A_1018 = arith.shrui %add3A_1011, %shift_right_logical3A_1017 : vector<512x128xi32>
    %or3A_1019 = arith.ori %shift_left3A_1015, %shift_right_logical3A_1018 : vector<512x128xi32>
    %xor3A_1020 = arith.xori %add3A_1012, %or3A_1019 : vector<512x128xi32>
    %add3A_1021 = arith.addi %add3A_1012, %xor3A_1020 : vector<512x128xi32>
    %shift_left3A_1022 = arith.constant 15 : i32
    %shift_left3A_1023 = vector.broadcast %shift_left3A_1022 : i32 to vector<512x128xi32>
    %shift_left3A_1024 = arith.shli %xor3A_1020, %shift_left3A_1023 : vector<512x128xi32>
    %shift_right_logical3A_1025 = arith.constant 17 : i32
    %shift_right_logical3A_1026 = vector.broadcast %shift_right_logical3A_1025 : i32 to vector<512x128xi32>
    %shift_right_logical3A_1027 = arith.shrui %xor3A_1020, %shift_right_logical3A_1026 : vector<512x128xi32>
    %or3A_1028 = arith.ori %shift_left3A_1024, %shift_right_logical3A_1027 : vector<512x128xi32>
    %xor3A_1029 = arith.xori %add3A_1021, %or3A_1028 : vector<512x128xi32>
    %add3A_1030 = arith.addi %add3A_1021, %xor3A_1029 : vector<512x128xi32>
    %shift_left3A_1031 = arith.constant 26 : i32
    %shift_left3A_1032 = vector.broadcast %shift_left3A_1031 : i32 to vector<512x128xi32>
    %shift_left3A_1033 = arith.shli %xor3A_1029, %shift_left3A_1032 : vector<512x128xi32>
    %shift_right_logical3A_1034 = arith.constant 6 : i32
    %shift_right_logical3A_1035 = vector.broadcast %shift_right_logical3A_1034 : i32 to vector<512x128xi32>
    %shift_right_logical3A_1036 = arith.shrui %xor3A_1029, %shift_right_logical3A_1035 : vector<512x128xi32>
    %or3A_1037 = arith.ori %shift_left3A_1033, %shift_right_logical3A_1036 : vector<512x128xi32>
    %xor3A_1038 = arith.xori %add3A_1030, %or3A_1037 : vector<512x128xi32>
    %add3A_1039 = arith.addi %add3A_1030, %xor3A_1038 : vector<512x128xi32>
    %shift_left3A_1040 = arith.constant 6 : i32
    %shift_left3A_1041 = vector.broadcast %shift_left3A_1040 : i32 to vector<512x128xi32>
    %shift_left3A_1042 = arith.shli %xor3A_1038, %shift_left3A_1041 : vector<512x128xi32>
    %shift_right_logical3A_1043 = arith.constant 26 : i32
    %shift_right_logical3A_1044 = vector.broadcast %shift_right_logical3A_1043 : i32 to vector<512x128xi32>
    %shift_right_logical3A_1045 = arith.shrui %xor3A_1038, %shift_right_logical3A_1044 : vector<512x128xi32>
    %or3A_1046 = arith.ori %shift_left3A_1042, %shift_right_logical3A_1045 : vector<512x128xi32>
    %xor3A_1047 = arith.xori %add3A_1039, %or3A_1046 : vector<512x128xi32>
    %add3A_1048 = vector.broadcast %xor3A_835 : i32 to vector<512x128xi32>
    %add3A_1049 = arith.addi %add3A_1039, %add3A_1048 : vector<512x128xi32>
    %add3A_1050 = vector.broadcast %get3A_1 : i32 to vector<512x128xi32>
    %add3A_1051 = arith.addi %xor3A_1047, %add3A_1050 : vector<512x128xi32>
    %add3A_1052 = arith.constant 5 : i32
    %add3A_1053 = vector.broadcast %add3A_1052 : i32 to vector<512x128xi32>
    %add3A_1054 = arith.addi %add3A_1051, %add3A_1053 : vector<512x128xi32>
    %xor3A_1055 = arith.xori %add3A_1049, %add3A_1054 : vector<512x128xi32>
    %shift_right_logical3A_1056 = arith.constant 9 : i32
    %shift_right_logical3A_1057 = vector.broadcast %shift_right_logical3A_1056 : i32 to vector<512x128xi32>
    %shift_right_logical3A_1058 = arith.shrui %xor3A_1055, %shift_right_logical3A_1057 : vector<512x128xi32>
    %ge3A_1059 = arith.constant 1677722 : i32
    %ge3A_1060 = vector.broadcast %ge3A_1059 : i32 to vector<512x128xi32>
    %ge3A_1061 = arith.cmpi sge, %shift_right_logical3A_1058, %ge3A_1060 : vector<512x128xi32>
    %get3A_1062 = arith.constant 0 : index
    %get3A_1063 = arith.constant 0 : index
    %get3A_1064 = arith.constant 0 : index
    %get3A_1065 = arith.constant 0 : index
    %get3A_1066 = vector.load %arg10[%get3A_1062, %get3A_1063, %get3A_1064, %get3A_1065] : memref<1x1x512x128xf32, #tpu.memory_space<vmem>>, vector<1x1x512x128xf32>
    %get3A_1067 = vector.shape_cast %get3A_1066 : vector<1x1x512x128xf32> to vector<512x128xf32>
    %jit3A_1068 = arith.constant 0.000000e+00 : f32
    %broadcast_in_dim3A_1069 = vector.broadcast %jit3A_1068 : f32 to vector<512x128xf32>
    %select_n3A_1070 = arith.select %ge3A_1061, %get3A_1067, %broadcast_in_dim3A_1069 : vector<512x128xi1>, vector<512x128xf32>
    %swap3A_1071 = arith.constant 0 : index
    %swap3A_1072 = arith.constant 3 : index
    %swap3A_1073 = arith.constant 0 : index
    %swap3A_1074 = arith.constant 0 : index
    %swap3A_1075 = vector.load %arg11[%swap3A_1071, %swap3A_1072, %swap3A_1073, %swap3A_1074] : memref<1x4x512x128xf32, #tpu.memory_space<vmem>>, vector<1x1x512x128xf32>
    %swap3A_1076 = vector.shape_cast %swap3A_1075 : vector<1x1x512x128xf32> to vector<512x128xf32>
    %swap3A_1077 = vector.shape_cast %select_n3A_1070 : vector<512x128xf32> to vector<1x1x512x128xf32>
    tpu.vector_store %arg11[%swap3A_1071, %swap3A_1072, %swap3A_1073, %swap3A_1074], %swap3A_1077 {strides = array<i32>} : memref<1x4x512x128xf32, #tpu.memory_space<vmem>>, vector<1x1x512x128xf32>,
    %get3A_1078 = arith.index_cast %arg0 : i32 to index
    %get3A_1079 = arith.index_cast %add3A_826 : i32 to index
    %get3A_1080 = memref.load %arg2[%get3A_1078, %get3A_1079] : memref<4x100xi32, #tpu.memory_space<smem>>
    %get3A_1081 = arith.index_cast %arg0 : i32 to index
    %get3A_1082 = arith.index_cast %get3A_1080 : i32 to index
    %get3A_1083 = memref.load %arg6[%get3A_1081, %get3A_1082] : memref<4x50xi32, #tpu.memory_space<smem>>
    %get3A_1084 = arith.index_cast %arg0 : i32 to index
    %get3A_1085 = arith.index_cast %add3A_826 : i32 to index
    %get3A_1086 = memref.load %arg4[%get3A_1084, %get3A_1085] : memref<4x100xi32, #tpu.memory_space<smem>>
    %ne3A_1087 = arith.constant 0 : i32
    %ne3A_1088 = arith.cmpi ne, %get3A_1086, %ne3A_1087 : i32
    %get3A_1089 = arith.index_cast %arg0 : i32 to index
    %get3A_1090 = arith.index_cast %add3A_826 : i32 to index
    %get3A_1091 = memref.load %arg5[%get3A_1089, %get3A_1090] : memref<4x100xi32, #tpu.memory_space<smem>>
    %select_n3A_1092 = arith.select %ne3A_1088, %get3A_1091, %get3A_1083 : i32
    %swap3A_1093 = arith.constant 0 : index
    %swap3A_1094 = arith.constant 3 : index
    %swap3A_1095 = arith.constant 0 : index
    %swap3A_1096 = arith.constant 0 : index
    %swap3A_1097 = memref.load %arg12[%swap3A_1093, %swap3A_1094, %swap3A_1095, %swap3A_1096] : memref<1x4x1x1xi32, #tpu.memory_space<smem>>
    memref.store %select_n3A_1092, %arg12[%swap3A_1093, %swap3A_1094, %swap3A_1095, %swap3A_1096] : memref<1x4x1x1xi32, #tpu.memory_space<smem>>
    return
  }
  func.func @transform_0(%arg0: i32, %arg1: i32, %arg2: memref<4x100xi32, #tpu.memory_space<smem>>, %arg3: memref<4x2xi32, #tpu.memory_space<smem>>, %arg4: memref<4x100xi32, #tpu.memory_space<smem>>, %arg5: memref<4x100xi32, #tpu.memory_space<smem>>, %arg6: memref<4x50xi32, #tpu.memory_space<smem>>) -> (i32, i32, i32, i32) {
    %mul3A = arith.constant 4 : i32
    %mul3A_0 = arith.muli %arg1, %mul3A : i32
    %add3A = arith.constant 0 : i32
    %add3A_1 = arith.addi %mul3A_0, %add3A : i32
    %get3A = arith.index_cast %arg0 : i32 to index
    %get3A_2 = arith.index_cast %add3A_1 : i32 to index
    %get3A_3 = memref.load %arg2[%get3A, %get3A_2] : memref<4x100xi32, #tpu.memory_space<smem>>
    %c0_i32 = arith.constant 0 : i32
    %c0_i32_4 = arith.constant 0 : i32
    %c0_i32_5 = arith.constant 0 : i32
    return %arg0, %get3A_3, %c0_i32, %c0_i32_4 : i32, i32, i32, i32
  }
  func.func @transform_1(%arg0: i32, %arg1: i32, %arg2: memref<4x100xi32, #tpu.memory_space<smem>>, %arg3: memref<4x2xi32, #tpu.memory_space<smem>>, %arg4: memref<4x100xi32, #tpu.memory_space<smem>>, %arg5: memref<4x100xi32, #tpu.memory_space<smem>>, %arg6: memref<4x50xi32, #tpu.memory_space<smem>>) -> (i32, i32, i32, i32) {
    %mul3A = arith.constant 4 : i32
    %mul3A_0 = arith.muli %arg1, %mul3A : i32
    %add3A = arith.constant 1 : i32
    %add3A_1 = arith.addi %mul3A_0, %add3A : i32
    %get3A = arith.index_cast %arg0 : i32 to index
    %get3A_2 = arith.index_cast %add3A_1 : i32 to index
    %get3A_3 = memref.load %arg2[%get3A, %get3A_2] : memref<4x100xi32, #tpu.memory_space<smem>>
    %c0_i32 = arith.constant 0 : i32
    %c0_i32_4 = arith.constant 0 : i32
    %c0_i32_5 = arith.constant 0 : i32
    return %arg0, %get3A_3, %c0_i32, %c0_i32_4 : i32, i32, i32, i32
  }
  func.func @transform_2(%arg0: i32, %arg1: i32, %arg2: memref<4x100xi32, #tpu.memory_space<smem>>, %arg3: memref<4x2xi32, #tpu.memory_space<smem>>, %arg4: memref<4x100xi32, #tpu.memory_space<smem>>, %arg5: memref<4x100xi32, #tpu.memory_space<smem>>, %arg6: memref<4x50xi32, #tpu.memory_space<smem>>) -> (i32, i32, i32, i32) {
    %mul3A = arith.constant 4 : i32
    %mul3A_0 = arith.muli %arg1, %mul3A : i32
    %add3A = arith.constant 2 : i32
    %add3A_1 = arith.addi %mul3A_0, %add3A : i32
    %get3A = arith.index_cast %arg0 : i32 to index
    %get3A_2 = arith.index_cast %add3A_1 : i32 to index
    %get3A_3 = memref.load %arg2[%get3A, %get3A_2] : memref<4x100xi32, #tpu.memory_space<smem>>
    %c0_i32 = arith.constant 0 : i32
    %c0_i32_4 = arith.constant 0 : i32
    %c0_i32_5 = arith.constant 0 : i32
    return %arg0, %get3A_3, %c0_i32, %c0_i32_4 : i32, i32, i32, i32
  }
  func.func @transform_3(%arg0: i32, %arg1: i32, %arg2: memref<4x100xi32, #tpu.memory_space<smem>>, %arg3: memref<4x2xi32, #tpu.memory_space<smem>>, %arg4: memref<4x100xi32, #tpu.memory_space<smem>>, %arg5: memref<4x100xi32, #tpu.memory_space<smem>>, %arg6: memref<4x50xi32, #tpu.memory_space<smem>>) -> (i32, i32, i32, i32) {
    %mul3A = arith.constant 4 : i32
    %mul3A_0 = arith.muli %arg1, %mul3A : i32
    %add3A = arith.constant 3 : i32
    %add3A_1 = arith.addi %mul3A_0, %add3A : i32
    %get3A = arith.index_cast %arg0 : i32 to index
    %get3A_2 = arith.index_cast %add3A_1 : i32 to index
    %get3A_3 = memref.load %arg2[%get3A, %get3A_2] : memref<4x100xi32, #tpu.memory_space<smem>>
    %c0_i32 = arith.constant 0 : i32
    %c0_i32_4 = arith.constant 0 : i32
    %c0_i32_5 = arith.constant 0 : i32
    return %arg0, %get3A_3, %c0_i32, %c0_i32_4 : i32, i32, i32, i32
  }
  func.func @transform_4(%arg0: i32, %arg1: i32, %arg2: memref<4x100xi32, #tpu.memory_space<smem>>, %arg3: memref<4x2xi32, #tpu.memory_space<smem>>, %arg4: memref<4x100xi32, #tpu.memory_space<smem>>, %arg5: memref<4x100xi32, #tpu.memory_space<smem>>, %arg6: memref<4x50xi32, #tpu.memory_space<smem>>) -> (i32, i32, i32, i32) {
    %c0_i32 = arith.constant 0 : i32
    %c0_i32_0 = arith.constant 0 : i32
    %c0_i32_1 = arith.constant 0 : i32
    return %arg0, %arg1, %c0_i32, %c0_i32_0 : i32, i32, i32, i32
  }
  func.func @transform_5(%arg0: i32, %arg1: i32, %arg2: memref<4x100xi32, #tpu.memory_space<smem>>, %arg3: memref<4x2xi32, #tpu.memory_space<smem>>, %arg4: memref<4x100xi32, #tpu.memory_space<smem>>, %arg5: memref<4x100xi32, #tpu.memory_space<smem>>, %arg6: memref<4x50xi32, #tpu.memory_space<smem>>) -> (i32, i32, i32, i32) {
    %c0_i32 = arith.constant 0 : i32
    %c0_i32_0 = arith.constant 0 : i32
    %c0_i32_1 = arith.constant 0 : i32
    return %arg0, %arg1, %c0_i32, %c0_i32_0 : i32, i32, i32, i32
  }
}

</mosaic_0001>

<sc_bundles>
// kernel: sparse-core-data-format-call.cloned.1.call-start
scs
called_computation_lowered:
.L_overlay_start_0:
0x0: {  	s2 =	sld [smem:$0x3FD9]  }
0x1: {  	s3 =	sld [smem:$0x3FFE];
	_ =	sdelay $0x1  }
0x2: {  	s1 =	srdreg.scid  }
0x3: {  	s0 =	sand.u32 $0x1, s1  }
0x4: {  	s15 =	sshll.u32 s0, $0xA;
	s2 =	sadd.s32 s3, s2  }
0x5: {  	s2 =	sadd.s32 s2, s15  }
0x6: {  	[smem:$0x3FC5] =	sst s2  }
0x7: {  	_ = 	snop  }
0x8: {  	s2 =	sld [smem:$0x3FD0];
	_ =	sdelay $0x2  }
0x9: {  	s16 =	simm.s32 $0xA;
	s4 =	simm.s32 $0x10  }
0xa: {  	[smem:s4], [sflag:s16] =	dma.local [hbm:s2], $0x1  }
0xb: {  	_ =	swait.eq [sflag:s16], $0x1  }
0xc: {  	[sflag:s16] =	ssyncset.done $0x0  }
0xd: {  	[sflag:s16] =	ssyncadd.s32 $0xFFFFFFFF  }
0xe: {  	s17 =	sld [smem:$0x10];
	(tm) =	ssettm $0x1  }
0xf: {  	s18 =	sld [smem:$0x3FFB];
	_ =	sdelay $0x3  }
0x10: {  	_ =	strace s18  }
0x11: {  	s3 =	sld [smem:$0x3FFC];
	_ =	sdelay $0x3  }
0x12: {  	_ =	strace s3  }
0x13: {  	s3 =	sld [smem:$0x3FFD];
	_ =	sdelay $0x3  }
0x14: {  	_ =	strace s3  }
0x15: {  	_ =	strace $0x8FFFFFFF  }
0x16: {  	s19 =	sld [smem:$0x3FDB];
	_ =	sdelay $0x1  }
0x17: {  	s20 =	simm.s32 $_scs_section_size  }
0x18: {  	s5 =	simm.s32 $_size__tile_overlayer_lowered;
	s6 =	simm.s32 $_tile_overlayer_lowered  }
0x19: {  	s23 =	simm.s32 $0x1BFF;
	s22 =	sshll.u32 s6, $0x1;
	s3 =	sadd.s32 s20, s19  }
0x1a: {  	s7 =	simm.s32 $0x0;
	s21 =	sshll.u32 s5, $0x1;
	s5 =	sadd.s32 s22, s3  }
0x1b: {  	[timem:s7], [sflag:s23] =	dma.local [hbm:s5], s21  }
0x1c: {  	_ =	swait.ge [sflag:s23], s21  }
0x1d: {  	s4 =	ssub.s32 $0x0, s21;
	[sflag:s23] =	ssyncset.done $0x0  }
0x1e: {  	[sflag:s23] =	ssyncadd.s32 s4;
	_ =	sdelay $0x1  }
0x1f: {  	s24 =	simm.s32 $0x1B8B  }
0x20: {  	_ =	swait.ge [sflag:s24], $0x1  }
0x21: {  	[sflag:s24] =	ssyncset.done $0x0  }
0x22: {  	s26 =	simm.s32 $0x1B8E;
	s25 =	sld [smem:$0x3FFE];
	[sflag:s24] =	ssyncadd.s32 $0xFFFFFFFF  }
0x23: {  	s27 =	simm.s32 $execute0_lowered;
	[smem:$0x3FD2] =	sst s26  }
0x24: {  	s5 =	sshll.u32 s27, $0x1;
	_ =	strace $0x80000046;
	[dreg:$0x1] =	wrdreg $0xFFFFFFFF  }
0x25: {  	s28 =	simm.s32 $_size_execute0_lowered;
	s3 =	sadd.s32 s3, s5;
	[dreg:$0x0] =	wrdreg $0x0  }
0x26: {  	s5 =	sshll.u32 s28, $0x1;
	[dreg:$0x2] =	wrdreg s3  }
0x27: {  	[dreg:$0x3] =	wrdreg s5  }
0x28: {  	[dreg:$0x4] =	wrdreg $0xC0  }
0x29: {  	_ =	task [dreg:s7], $0x5FFFF  }
0x2a: {  	[dreg:$0x1] =	wrdreg $0xFFFFFFFF  }
0x2b: {  	[dreg:$0x0] =	wrdreg $0x60  }
0x2c: {  	[dreg:$0x2] =	wrdreg s25  }
0x2d: {  	[dreg:$0x3] =	wrdreg s17  }
0x2e: {  	[dreg:$0x4] =	wrdreg $0x9  }
0x2f: {  	_ =	task.clear_ibuf [dreg:s7], $0x5FFFF;
	_ =	strace $0x90000046  }
0x30: {  	s29 =	simm.s32 $0x9;
	_ =	strace $0x80000048  }
0x31: {  	_ =	swait.ge [sflag:s29], $0x1  }
0x32: {  	[sflag:s29] =	ssyncadd.s32 $0xFFFFFFFF  }
0x33: {  	_ =	strace $0x90000048  }
0x34: {  	_ =	sfence  }
0x35: {  	s30 =	sld [smem:$0x0];
	_ =	sdelay $0x2  }
0x36: {  	s31 =	sshll.u32 s1, $0xD;
	s1 =	sshrl.u32 s1, $0x2  }
0x37: {  	s3 =	sand.u32 $0x4000, s31;
	s1 =	sadd.s32 s1, s30  }
0x38: {  	s0 =	sor.u32 s3, s0;
	s1 =	sshll.u32 s1, $0x11  }
0x39: {  	s0 =	sor.u32 s1, s0  }
0x3a: {  	s0 =	sadd.s32 $0x8F2B, s0  }
0x3b: {  	[sflag:s0] =	ssyncadd.remote.s32 $0x1  }
0x3c: {  	_ =	sfence.sel $0xFFFF  }
0x3d: {  	[dreg:$0x0] =	wrdreg $0xFFFFFFFF;
	(pc) =	sbr.abs _section_cstart, $3  }
0x3e: {  	[dreg:$0x1] =	wrdreg $0xFFFFFFFF  }
0x3f: {  	_ =	task.clear_ibuf [dreg:s7], $0x2FFFF;
	_ =	strace $0x9FFFFFFF  }
0x40: {  	(tm) =	ssettm $0x7FFFFFFF  }
0x41: {  	_ =	shalt  }
tec
execute0_lowered:
.L_overlay_start_1:
0x0: {  	(tag) =	ssettag $0x1  }
0x1: {  	s0 =	srdreg.scid;
	s6 =	rddreg [dreg:$0x0]  }
0x2: {  	s3 =	rddreg [dreg:$0x1];
	s1 =	sshll.u32 s0, $0x4  }
0x3: {  	s5 =	simm.s32 $0x1;
	s0 =	stileid.u32;
	s1 =	sand.u32 $0x10, s1  }
0x4: {  	s31 =	simm.s32 $0x2;
	s17 =	simm.s32 $0x0;
	s1 =	sor.u32 s0, s1  }
0x5: {  	s8 =	simm.s32 $0x40000;
	s9 =	simm.s32 $0x0;
	s2 =	sshll.u32 s1, $0x9  }
0x6: {  	s19 =	simm.s32 $0x0;
	s18 =	simm.s32 $0x0;
	s4 =	ssub.s32 $0x10000, s2  }
0x7: {  	s10 =	simm.s32 $0x0;
	s11 =	simm.s32 $0x0;
	s30 =	sand.u32 $0x3E00, s4  }
0x8: {  	s12 =	simm.s32 $0x0;
	s14 =	simm.s32 $0x0;
	p0 =	sne.s32 s30, $0x0  }
.Ltmp0:
0x9: {  	s7 =	sshrl.u32 s4, $0xE;
	s5 =	simm.s32 @!p0 $0x0;
	(pc) =	sbr.rel .LBB1_1-.Ltmp0, $4  }
0xa: {  	s15 =	simm.s32 $0x0;
	s1 =	rddreg [dreg:$0x2];
	s5 =	sadd.s32 s5, s7  }
0xb: {  	_ =	strace $0x80000047;
	s4 =	simm.s32 $0x1;
	s5 =	smul.u32 $0xD, s5  }
0xc: {  	s16 =	simm.s32 $0x0;
	s6 =	sadd.s32 $0x7400, s6;
	[sflag:s4] =	ssyncpa.u1 $0x0  }
0xd: {  	s13 =	smov.u32 s2;
	[sflag:s31] =	ssyncpa.u1 $0x0;
	s7 =	sadd.s32 $0x1, s5  }
.LBB1_7:
0xe: {  	p0 =	slt.u32 s16, $0x2  }
0xf: {  	p1 =	sgt.s32 @!p0 s19, $0x5C  }
0x10: {  	s20 =	smov.u32 s19;
	s21 =	sshra.s32 @!p0 s19, $0x1F;
	p1 =	por !p1, p0  }
0x11: {  	s19 =	sand.u32 @!p0 s21, s19;
	s20 =	simm.s32 @p1 $0x5C  }
0x12: {  	p2 =	sgt.s32 @!p0 s17, $0xFE00;
	s19 =	ssub.s32 @!p0 s20, s19  }
0x13: {  	p2 =	por !p2, p0;
	s21 =	sshra.s32 @!p0 s17, $0x1F;
	s20 =	sadd.s32 @!p0 $0xFFFFFFA4, s19  }
0x14: {  	s19 =	ssub.s32 @!p0 $0x64, s19;
	p1 =	sgt.s32 @!p0 s20, $0x7;
	s20 =	ssub.s32 @!p0 $0x0, s18  }
0x15: {  	p1 =	por !p1, p0;
	s18 =	smin.u32 @!p0 s18, s20;
	s20 =	smov.u32 s17  }
0x16: {  	s17 =	sand.u32 @!p0 s21, s17;
	s21 =	smov.u32 s14;
	s20 =	simm.s32 @p2 $0xFE00  }
0x17: {  	p2 =	sgt.s32 @!p0 s18, $0x3;
	s18 =	ssub.s32 @!p0 $0x4, s18;
	s17 =	ssub.s32 @!p0 s20, s17  }
0x18: {  	s19 =	simm.s32 @!p1 $0x0;
	p2 =	por !p2, p0;
	s20 =	sadd.s32 @!p0 $0xFFFF0200, s17  }
0x19: {  	s18 =	simm.s32 @!p2 $0x0;
	s17 =	ssub.s32 @!p0 $0x10000, s17;
	p1 =	sgt.s32 @!p0 s20, $0x1FF  }
0x1a: {  	s18 =	smul.u32 @!p0 s18, s19;
	s20 =	sadd.s32 $0x4000, s13;
	p1 =	por !p1, p0  }
0x1b: {  	s19 =	sadd.s32 $0x8, s14;
	s17 =	simm.s32 @!p1 $0x0;
	p1 =	sgt.s32 s20, $0xFFFF  }
0x1c: {  	s22 =	smov.u32 s15;
	s21 =	smov.u32 @p1 s19  }
0x1d: {  	s17 =	smul.u32 @!p0 s17, s18;
	s18 =	sadd.s32 $0x4, s15;
	p2 =	sgt.s32 s21, $0x63  }
0x1e: {  	s9 =	sadd.s32 $0x4000, s9;
	s23 =	simm.s32 @!p0 $0x2;
	s22 =	smov.u32 @p2 s18  }
0x1f: {  	s20 =	smov.u32 @p1 s2;
	s19 =	smov.u32 s11;
	p1 =	sgt.s32 s22, $0x3  }
0x20: {  	s11 =	smov.u32 s14;
	s22 =	simm.s32 @p1 $0x0;
	p1 =	sne.s32 s16, s7  }
.Ltmp1:
0x21: {  	s17 =	sand.u32 @!p0 $0x3FFFFFFF, s17;
	s21 =	simm.s32 @p2 $0x0;
	(pc) =	sbr.rel @!p1 .LBB1_8-.Ltmp1, $4  }
0x22: {  	s18 =	smov.u32 s12;
	s12 =	smov.u32 s15;
	_ =	swait.ge @!p0 [sflag:s23], s17  }
0x23: {  	s24 =	ssub.s32 @!p0 $0x0, s17;
	s17 =	smov.u32 s10;
	s10 =	smov.u32 s13  }
0x24: {  	s13 =	smov.u32 s20;
	s14 =	smov.u32 s21;
	[sflag:s23] =	ssyncset.done @!p0 $0x0  }
0x25: {  	s16 =	sadd.s32 $0x1, s16;
	[sflag:s23] =	ssyncadd.s32 @!p0 s24;
	s15 =	smov.u32 s22  }
.LBB1_1:
0x26: {  	p0 =	sge.u32 s16, s5  }
0x27: {  	s20 =	sshll.u32 @!p0 s14, $0x10  }
0x28: {  	s21 =	sshll.u32 @!p0 s13, $0x3;
	s20 =	sand.u32 @!p0 $0xFFF80000, s20  }
0x29: {  	s20 =	sadd.s32 @!p0 s20, s21  }
0x2a: {  	s20 =	sshrl.u32 @!p0 s20, $0x10  }
0x2b: {  	s22 =	smul.u32 @!p0 $0x4EC5, s20;
	_ =	sdelay $0x1  }
0x2c: {  	s23 =	sxor.u32 @!p0 $0xFFFFFFFF, s16;
	s24 =	sshll.u32 @!p0 s14, $0x7;
	s22 =	sshrl.u32 @!p0 s22, $0x15  }
0x2d: {  	s25 =	sand.u32 @!p0 $0x78, s13;
	s24 =	sand.u32 @!p0 $0x380, s24;
	s22 =	smul.u32 @!p0 $0x68, s22  }
0x2e: {  	s31 =	sadd.s32 $0xFFFFFFFF, s16;
	s23 =	sshll.u32 @!p0 s23, $0xE;
	s24 =	sor.u32 @!p0 s24, s25  }
0x2f: {  	s21 =	sand.u32 @!p0 $0xFC00, s21;
	s20 =	ssub.s32 @!p0 s20, s22;
	s22 =	smul.u32 @!p0 $0xD0000, s15  }
0x30: {  	s23 =	sand.u32 @!p0 $0x4000, s23;
	s21 =	sor.u32 @!p0 s21, s24;
	s24 =	sand.u32 @!p0 $0x7, s13  }
0x31: {  	s21 =	sshrl.u32 @!p0 s21, $0x3;
	s20 =	sand.u32 @!p0 $0xFFFF, s20;
	s22 =	sadd.s32 @!p0 s6, s22  }
0x32: {  	s20 =	sshll.u32 @!p0 s20, $0xD;
	s21 =	sadd.s32 @!p0 s21, s22;
	s22 =	sshll.u32 @!p0 s24, $0x12  }
0x33: {  	s20 =	sadd.s32 @!p0 s20, s21;
	s21 =	sor.u32 @!p0 $0x1000, s22;
	s22 =	simm.s32 @!p0 $0x680000  }
0x34: {  	[tilespmem:s23], [sflag:$0x1] =	stream.strided.gather @!p0 [hbm4b:s20+s21], $0x4000, s22, s21, $0x38;
	[tilespmem:$0x10000] =	vst v63  }
0x35: {  	p0 =	sge.u32 s31, s5  }
.Ltmp2:
0x36: {  	_ = 	snop;
	(pc) =	sbr.rel @p0 .LBB1_7-.Ltmp2, $1  }
0x37: {  	_ =	sdelay $0x3  }
0x38: {  	s20 =	sand.u32 $0x4000, s9;
	_ =	swait.ge [sflag:s4], $0x4000  }
0x39: {  	s23 =	sshll.u32 s16, $0xE;
	s24 =	simm.s32 $0x0;
	s25 =	simm.s32 $0x0  }
0x3a: {  	s21 =	sor.u32 $0x8400, s20;
	[sflag:s4] =	ssyncset.done $0x0;
	s23 =	sand.u32 $0x4000, s23  }
0x3b: {  	s22 =	sor.u32 $0x810, s20;
	[sflag:s4] =	ssyncadd.s32 $0xFFFFC000;
	s20 =	sor.u32 $0x8000, s23  }
.LBB1_3:
0x3c: {  	v4 =	vld [tilespmem:s22+$0xFFFFF7F0]  }
0x3d: {  	v5 =	vld [tilespmem:s22+$0xFFFFF800]  }
0x3e: {  	s26 =	sshll.u32 s25, $0xC;
	v6 =	vld [tilespmem:s22+$0xFFFFF810]  }
0x3f: {  	v0 =	vmov s26  }
0x40: {  	v7 =	vld [tilespmem:s22+$0xFFFFF820]  }
0x41: {  	s31 =	sand.u32 $0x200, s24;
	[tilespmem:s21+$0xFFFFFC00] =	vst v4;
	v4 =	vld [tilespmem:s22+$0xFFFFF860]  }
0x42: {  	s27 =	sand.u32 $0x180, s24;
	s26 =	sadd.s32 s31, s23;
	[tilespmem:s21+$0xFFFFFC10] =	vst v5;
	v5 =	vld [tilespmem:s22+$0xFFFFFC00]  }
0x43: {  	s26 =	sadd.s32 s27, s26;
	[tilespmem:s21+$0xFFFFFC20] =	vst v6;
	v6 =	vld [tilespmem:s22+$0xFFFFFC10]  }
0x44: {  	v1 =	vld.idx.msk [tilespmem:v0+s26+$0xC00 ss:$0x1], $0xffff  }
0x45: {  	v2 =	vld.idx.msk [tilespmem:v0+s26+$0x400 ss:$0x1], $0xffff  }
0x46: {  	[tilespmem:s21+$0xFFFFFC30] =	vst v7;
	v3 =	vld.idx.msk [tilespmem:v0+s26+$0x800 ss:$0x1], $0xffff  }
0x47: {  	v7 =	vld [tilespmem:s22+$0x40];
	[tilespmem:s21+$0xFFFFFC70] =	vst v4  }
0x48: {  	v4 =	vld [tilespmem:s22+$0xFFFFFC50];
	[tilespmem:s21+$0xFFFFFE10] =	vst v5  }
0x49: {  	[tilespmem:s21+$0x200] =	vst v1;
	v1 =	vld [tilespmem:s22+$0xFFFFF830]  }
0x4a: {  	[tilespmem:s21+$0xFFFFFE00] =	vst v2;
	v2 =	vld [tilespmem:s22+$0xFFFFF840]  }
0x4b: {  	[tilespmem:s21+$0x0] =	vst v3;
	v3 =	vld [tilespmem:s22+$0xFFFFF850]  }
0x4c: {  	v5 =	vld [tilespmem:s22+$0xFFFFFC60];
	[tilespmem:s21+$0xFFFFFE20] =	vst v6  }
0x4d: {  	v6 =	vld [tilespmem:s22+$0x0];
	[tilespmem:s21+$0x50] =	vst v7  }
0x4e: {  	[tilespmem:s21+$0xFFFFFC40] =	vst v1;
	v1 =	vld [tilespmem:s22+$0xFFFFFC20]  }
0x4f: {  	[tilespmem:s21+$0xFFFFFC50] =	vst v2;
	v2 =	vld [tilespmem:s22+$0xFFFFFC30]  }
0x50: {  	[tilespmem:s21+$0xFFFFFC60] =	vst v3;
	v3 =	vld [tilespmem:s22+$0xFFFFFC40]  }
0x51: {  	[tilespmem:s21+$0xFFFFFE70] =	vst v5;
	v5 =	vld [tilespmem:s22+$0x50]  }
0x52: {  	[tilespmem:s21+$0x10] =	vst v6;
	v6 =	vld [tilespmem:s22+$0x60]  }
0x53: {  	[tilespmem:s21+$0xFFFFFE30] =	vst v1;
	v1 =	vld [tilespmem:s22+$0x10]  }
0x54: {  	[tilespmem:s21+$0xFFFFFE40] =	vst v2;
	v2 =	vld [tilespmem:s22+$0x20]  }
0x55: {  	[tilespmem:s21+$0xFFFFFE50] =	vst v3;
	v3 =	vld [tilespmem:s22+$0x30]  }
0x56: {  	[tilespmem:s21+$0xFFFFFE60] =	vst v4;
	v4 =	vld [tilespmem:s22+$0x400]  }
0x57: {  	[tilespmem:s21+$0x60] =	vst v5;
	v5 =	vld [tilespmem:s22+$0x440]  }
0x58: {  	[tilespmem:s21+$0x20] =	vst v1;
	v1 =	vld [tilespmem:s22+$0x410]  }
0x59: {  	s29 =	simm.s32 $0x80;
	s28 =	simm.s32 $0x100;
	[tilespmem:s21+$0x30] =	vst v2;
	v2 =	vld [tilespmem:s22+$0x420]  }
0x5a: {  	s30 =	sand.u32 $0x200, s29;
	s27 =	smov.u32 s22;
	s26 =	smov.u32 s21;
	[tilespmem:s21+$0x40] =	vst v3;
	v3 =	vld [tilespmem:s22+$0x430]  }
.LBB1_4:
0x5b: {  	p0 =	sne.s32 s28, $0x380;
	s29 =	sand.u32 $0x180, s29;
	s30 =	sadd.s32 s30, s23;
	[tilespmem:s26+$0x70] =	vst v6;
	v6 =	vld [tilespmem:s27+$0x450]  }
0x5c: {  	s30 =	sadd.s32 s29, s30;
	[tilespmem:s26+$0x210] =	vst v4;
	v4 =	vld [tilespmem:s27+$0x460];
	s29 =	smov.u32 s28  }
0x5d: {  	v7 =	vld.idx.msk [tilespmem:v0+s30+$0xC00 ss:$0x1], $0xffff;
	[tilespmem:s26+$0x220] =	vst v1  }
0x5e: {  	v1 =	vld.idx.msk [tilespmem:v0+s30+$0x400 ss:$0x1], $0xffff;
	[tilespmem:s26+$0x230] =	vst v2  }
0x5f: {  	s27 =	sadd.s32 $0x80, s27;
	v2 =	vld.idx.msk [tilespmem:v0+s30+$0x800 ss:$0x1], $0xffff;
	[tilespmem:s26+$0x240] =	vst v3  }
0x60: {  	v3 =	vld [tilespmem:s27+$0xFFFFF7F0];
	[tilespmem:s26+$0x250] =	vst v5  }
0x61: {  	v5 =	vld [tilespmem:s27+$0xFFFFF800];
	[tilespmem:s26+$0x260] =	vst v6  }
0x62: {  	v6 =	vld [tilespmem:s27+$0xFFFFF810];
	[tilespmem:s26+$0x270] =	vst v4;
	s26 =	sadd.s32 $0x800, s26  }
0x63: {  	v4 =	vld [tilespmem:s27+$0xFFFFF820];
	[tilespmem:s26+$0x200] =	vst v7  }
0x64: {  	v7 =	vld [tilespmem:s27+$0xFFFFF830];
	[tilespmem:s26+$0xFFFFFE00] =	vst v1  }
0x65: {  	v1 =	vld [tilespmem:s27+$0xFFFFF840];
	[tilespmem:s26+$0x0] =	vst v2  }
0x66: {  	[tilespmem:s26+$0xFFFFFC00] =	vst v3;
	v2 =	vld [tilespmem:s27+$0xFFFFF850]  }
0x67: {  	[tilespmem:s26+$0xFFFFFC10] =	vst v5;
	v3 =	vld [tilespmem:s27+$0xFFFFF860]  }
0x68: {  	[tilespmem:s26+$0xFFFFFC20] =	vst v6;
	v5 =	vld [tilespmem:s27+$0xFFFFFC00]  }
0x69: {  	[tilespmem:s26+$0xFFFFFC30] =	vst v4;
	v4 =	vld [tilespmem:s27+$0xFFFFFC10]  }
0x6a: {  	[tilespmem:s26+$0xFFFFFC40] =	vst v7;
	v6 =	vld [tilespmem:s27+$0xFFFFFC20]  }
0x6b: {  	[tilespmem:s26+$0xFFFFFC50] =	vst v1;
	v1 =	vld [tilespmem:s27+$0xFFFFFC30]  }
0x6c: {  	[tilespmem:s26+$0xFFFFFC60] =	vst v2;
	v2 =	vld [tilespmem:s27+$0xFFFFFC40]  }
0x6d: {  	[tilespmem:s26+$0xFFFFFC70] =	vst v3;
	v3 =	vld [tilespmem:s27+$0xFFFFFC50]  }
0x6e: {  	[tilespmem:s26+$0xFFFFFE10] =	vst v5;
	v5 =	vld [tilespmem:s27+$0xFFFFFC60]  }
0x6f: {  	[tilespmem:s26+$0xFFFFFE20] =	vst v4;
	v4 =	vld [tilespmem:s27+$0x0]  }
0x70: {  	[tilespmem:s26+$0xFFFFFE30] =	vst v6;
	v7 =	vld [tilespmem:s27+$0x10]  }
0x71: {  	[tilespmem:s26+$0xFFFFFE40] =	vst v1;
	v1 =	vld [tilespmem:s27+$0x20]  }
0x72: {  	[tilespmem:s26+$0xFFFFFE50] =	vst v2;
	v2 =	vld [tilespmem:s27+$0x30]  }
0x73: {  	[tilespmem:s26+$0xFFFFFE60] =	vst v3;
	v3 =	vld [tilespmem:s27+$0x40]  }
0x74: {  	[tilespmem:s26+$0xFFFFFE70] =	vst v5;
	v5 =	vld [tilespmem:s27+$0x50]  }
0x75: {  	[tilespmem:s26+$0x10] =	vst v4;
	v6 =	vld [tilespmem:s27+$0x60]  }
.Ltmp3:
0x76: {  	[tilespmem:s26+$0x20] =	vst v7;
	v4 =	vld [tilespmem:s27+$0x400];
	(pc) =	sbr.rel @p0 .LBB1_4-.Ltmp3, $4  }
0x77: {  	[tilespmem:s26+$0x30] =	vst v1;
	v1 =	vld [tilespmem:s27+$0x410]  }
0x78: {  	[tilespmem:s26+$0x40] =	vst v2;
	v2 =	vld [tilespmem:s27+$0x420]  }
0x79: {  	[tilespmem:s26+$0x50] =	vst v3;
	v3 =	vld [tilespmem:s27+$0x430]  }
0x7a: {  	s28 =	sadd.s32 $0x80, s28;
	s30 =	sand.u32 $0x200, s29;
	[tilespmem:s26+$0x60] =	vst v5;
	v5 =	vld [tilespmem:s27+$0x440]  }
0x7b: {  	[tilespmem:s26+$0x70] =	vst v6  }
0x7c: {  	v30 =	vld [tilespmem:s27+$0x450];
	[tilespmem:s26+$0x210] =	vst v4  }
0x7d: {  	s31 =	sadd.s32 s30, s23;
	v31 =	vld [tilespmem:s27+$0x460];
	s30 =	sadd.s32 $0x80, s27;
	[tilespmem:s26+$0x220] =	vst v1  }
0x7e: {  	v35 =	vld [tilespmem:s30+$0xFFFFF7F0];
	[tilespmem:s26+$0x230] =	vst v2  }
0x7f: {  	v36 =	vld [tilespmem:s30+$0xFFFFF800];
	[tilespmem:s26+$0x240] =	vst v3  }
0x80: {  	v37 =	vld [tilespmem:s30+$0xFFFFF810];
	[tilespmem:s26+$0x250] =	vst v5  }
0x81: {  	s28 =	sand.u32 $0x180, s29;
	v38 =	vld [tilespmem:s30+$0xFFFFF820];
	[tilespmem:s26+$0x260] =	vst v30  }
0x82: {  	s28 =	sadd.s32 s28, s31;
	s31 =	sadd.s32 $0x800, s26;
	v39 =	vld [tilespmem:s30+$0xFFFFF830];
	[tilespmem:s26+$0x270] =	vst v31  }
0x83: {  	v40 =	vld [tilespmem:s30+$0xFFFFF840];
	[tilespmem:s31+$0xFFFFFC00] =	vst v35  }
0x84: {  	v41 =	vld [tilespmem:s30+$0xFFFFF850];
	[tilespmem:s31+$0xFFFFFC10] =	vst v36  }
0x85: {  	v42 =	vld [tilespmem:s30+$0xFFFFF860];
	[tilespmem:s31+$0xFFFFFC20] =	vst v37  }
0x86: {  	v43 =	vld [tilespmem:s30+$0xFFFFFC00];
	[tilespmem:s31+$0xFFFFFC30] =	vst v38  }
0x87: {  	v44 =	vld [tilespmem:s30+$0xFFFFFC10];
	[tilespmem:s31+$0xFFFFFC40] =	vst v39  }
0x88: {  	v45 =	vld [tilespmem:s30+$0xFFFFFC20];
	[tilespmem:s31+$0xFFFFFC50] =	vst v40  }
0x89: {  	v46 =	vld [tilespmem:s30+$0xFFFFFC30];
	[tilespmem:s31+$0xFFFFFC60] =	vst v41  }
0x8a: {  	v47 =	vld [tilespmem:s30+$0xFFFFFC40];
	[tilespmem:s31+$0xFFFFFC70] =	vst v42  }
0x8b: {  	v48 =	vld [tilespmem:s30+$0xFFFFFC50];
	[tilespmem:s31+$0xFFFFFE10] =	vst v43  }
0x8c: {  	v49 =	vld [tilespmem:s30+$0xFFFFFC60];
	[tilespmem:s31+$0xFFFFFE20] =	vst v44  }
0x8d: {  	v50 =	vld [tilespmem:s30+$0x0];
	[tilespmem:s31+$0xFFFFFE30] =	vst v45  }
0x8e: {  	v51 =	vld [tilespmem:s30+$0x10];
	[tilespmem:s31+$0xFFFFFE40] =	vst v46  }
0x8f: {  	v52 =	vld [tilespmem:s30+$0x20];
	[tilespmem:s31+$0xFFFFFE50] =	vst v47  }
0x90: {  	v53 =	vld [tilespmem:s30+$0x30];
	[tilespmem:s31+$0xFFFFFE60] =	vst v48  }
0x91: {  	v54 =	vld [tilespmem:s30+$0x40];
	[tilespmem:s31+$0xFFFFFE70] =	vst v49  }
0x92: {  	v55 =	vld [tilespmem:s30+$0x50];
	[tilespmem:s31+$0x10] =	vst v50  }
0x93: {  	v56 =	vld [tilespmem:s30+$0x60];
	[tilespmem:s31+$0x20] =	vst v51  }
0x94: {  	v57 =	vld [tilespmem:s30+$0x400];
	[tilespmem:s31+$0x30] =	vst v52  }
0x95: {  	v58 =	vld [tilespmem:s30+$0x410];
	[tilespmem:s31+$0x40] =	vst v53  }
0x96: {  	v59 =	vld [tilespmem:s30+$0x420];
	[tilespmem:s31+$0x50] =	vst v54  }
0x97: {  	v60 =	vld [tilespmem:s30+$0x430];
	[tilespmem:s31+$0x60] =	vst v55  }
0x98: {  	v61 =	vld [tilespmem:s30+$0x440];
	[tilespmem:s31+$0x70] =	vst v56  }
0x99: {  	v62 =	vld [tilespmem:s30+$0x450];
	[tilespmem:s31+$0x210] =	vst v57  }
0x9a: {  	v63 =	vld [tilespmem:s30+$0x460];
	[tilespmem:s31+$0x220] =	vst v58  }
0x9b: {  	v32 =	vld.idx.msk [tilespmem:v0+s28+$0xC00 ss:$0x1], $0xffff;
	[tilespmem:s31+$0x230] =	vst v59  }
0x9c: {  	s25 =	sadd.s32 $0x1, s25;
	v33 =	vld.idx.msk [tilespmem:v0+s28+$0x400 ss:$0x1], $0xffff;
	[tilespmem:s31+$0x240] =	vst v60  }
0x9d: {  	p0 =	sne.s32 s25, $0x4;
	v34 =	vld.idx.msk [tilespmem:v0+s28+$0x800 ss:$0x1], $0xffff;
	[tilespmem:s31+$0x250] =	vst v61  }
.Ltmp4:
0x9e: {  	[tilespmem:s31+$0x260] =	vst v62;
	(pc) =	sbr.rel @p0 .LBB1_3-.Ltmp4, $4  }
0x9f: {  	[tilespmem:s31+$0x270] =	vst v63  }
0xa0: {  	[tilespmem:s31+$0x200] =	vst v32  }
0xa1: {  	[tilespmem:s31+$0xFFFFFE00] =	vst v33  }
0xa2: {  	s21 =	sadd.s32 $0x80, s21;
	s22 =	sadd.s32 $0x1000, s22;
	[tilespmem:s31+$0x0] =	vst v34  }
0xa3: {  	p0 =	sgt.s32 s11, $0x5C  }
0xa4: {  	s21 =	smov.u32 s11;
	s22 =	sshra.s32 s11, $0x1F;
	s23 =	sshll.u32 s12, $0x7  }
0xa5: {  	s29 =	sand.u32 $0x78, s10;
	s30 =	ssub.s32 $0x0, s12;
	p1 =	sgt.s32 s10, $0xFE00  }
0xa6: {  	s25 =	sshra.s32 s10, $0x1F;
	s31 =	sshll.u32 s10, $0x2;
	s27 =	sshll.u32 s11, $0xF  }
0xa7: {  	s28 =	sshrl.u32 s10, $0x1;
	s21 =	simm.s32 @!p0 $0x5C;
	s22 =	sand.u32 s22, s11  }
0xa8: {  	s23 =	sand.u32 $0x180, s23;
	s25 =	sand.u32 s25, s10;
	s21 =	ssub.s32 s21, s22  }
0xa9: {  	s22 =	sor.u32 s23, s29;
	s23 =	smin.u32 s12, s30;
	s24 =	sadd.s32 $0xFFFFFFA4, s21  }
0xaa: {  	s29 =	sand.u32 $0x7, s10;
	p0 =	sgt.s32 s24, $0x7;
	s24 =	smov.u32 s10  }
0xab: {  	s21 =	ssub.s32 $0x64, s21;
	s24 =	simm.s32 @!p1 $0xFE00;
	p1 =	sgt.s32 s23, $0x3  }
0xac: {  	s23 =	ssub.s32 $0x4, s23;
	s21 =	simm.s32 @p0 $0x0;
	s24 =	ssub.s32 s24, s25  }
0xad: {  	s23 =	simm.s32 @p1 $0x0;
	s25 =	sand.u32 $0xFE00, s31;
	s26 =	sadd.s32 $0xFFFF0200, s24  }
0xae: {  	s21 =	smul.u32 s23, s21;
	s23 =	ssub.s32 $0x10000, s24;
	p0 =	sgt.s32 s26, $0x1FF  }
.Ltmp5:
0xaf: {  	s22 =	sor.u32 s25, s22;
	s23 =	simm.s32 @p0 $0x0;
	(pc) =	sbr.rel .LBB1_7-.Ltmp5, $4  }
0xb0: {  	s24 =	sand.u32 $0x6000, s28;
	s21 =	smul.u32 s23, s21;
	s23 =	sadd.s32 s3, s27  }
0xb1: {  	s30 =	sshll.u32 s29, $0x12;
	s22 =	sshrl.u32 s22, $0x3;
	s23 =	sadd.s32 s24, s23  }
0xb2: {  	s31 =	sor.u32 $0x800, s30;
	s21 =	sand.u32 $0x3FFFFFFF, s21;
	s22 =	sadd.s32 s22, s23  }
0xb3: {  	[hbm4b:s22+s31] =	stream.strided.scatter [tilespmem:s20], [sflag:$0x2], s21, s8, s31, $0x38;
	[tilespmem:$0x10000] =	vst v63  }
.LBB1_8:
0xb4: {  	_ =	sfence.sel $0x180000  }
0xb5: {  	s2 =	simm.s32 $0x1;
	[bflag:$0x0] =	sbarrier.arrive $0xFFFF  }
0xb6: {  	s31 =	simm.s32 $0x2;
	[sflag:s2] =	ssyncpa.u1 $0x1  }
0xb7: {  	[sflag:s31] =	ssyncpa.u1 $0x1  }
0xb8: {  	p0 =	sne.s32 s0, $0x0;
	_ =	strace $0x90000047  }
0xb9: {  	s0 =	sadd.s32 @!p0 $0x100000, s1;
	[bflag:$0x2] =	sbarrier.arrive $0xFFFF  }
0xba: {  	[sflag:s0] =	ssyncadd.tile.s32 @!p0 $0x1;
	_ =	shalt  }
.Lfunc_end1:
_tile_overlayer_lowered:
.L_overlay_start_2:
0xbb: {  	(tag) =	ssettag $0x2  }
0xbc: {  	s0 =	rddreg [dreg:$0x0];
	s2 =	stileid.u32  }
0xbd: {  	s1 =	rddreg [dreg:$0x1];
	p0 =	sne.s32 s2, $0x0  }
0xbe: {  	s3 =	rddreg [dreg:$0x2];
	[bflag:$0x3] =	sbarrier.arrive $0xFFFF;
	s2 =	simm.s32 @!p0 $0x1C01  }
0xbf: {  	[timem:s3], [sflag:s2] =	dma.local @!p0 [hbm:s0], s1  }
0xc0: {  	s0 =	simm.s32 @!p0 $0x1  }
0xc1: {  	_ =	swait.ge @!p0 [sflag:s0], s1  }
0xc2: {  	s1 =	ssub.s32 @!p0 $0x0, s1;
	[sflag:s0] =	ssyncset.done @!p0 $0x0  }
0xc3: {  	[sflag:s0] =	ssyncadd.s32 @!p0 s1  }
0xc4: {  	[bflag:$0x3] =	sbarrier.arrive $0xFFFF  }
0xc5: {  	_ =	shalt  }

</sc_bundles>
